<compile_context>
chip_gen: v7x
topology: tpu7x:2x2x1
jax: 0.10.2.dev20260603
libtpu: 0.0.44.dev20260713+nightly
codegen_flags: <defaults>
</compile_context>

<pallas_src>
import functools

import jax
import jax.numpy as jnp
from jax import lax
from jax.experimental import pallas as pl
from jax.experimental.pallas import tpu as pltpu
from jax.experimental.pallas import tpu_sc as plsc

DIM = 256
N_EMBED = 8192
COMMITMENT_COST = 0.25
TM = 2048
TCK = 256
KAUG = DIM + 8
SC_CORES = 2
SC_SUBCORES = 16
SC_WORKERS = SC_CORES * SC_SUBCORES


def _prep_w_body(w_ref, waug_ref):
    w = w_ref[...]
    w2 = jnp.sum(w * w, axis=0, keepdims=True)
    hi = w2.astype(jnp.bfloat16)
    lo = (w2 - hi.astype(jnp.float32)).astype(jnp.bfloat16)
    waug_ref[0:DIM, :] = w.astype(jnp.bfloat16)
    waug_ref[DIM:DIM + 1, :] = hi
    waug_ref[DIM + 1:DIM + 2, :] = lo
    waug_ref[DIM + 2:KAUG, :] = jnp.zeros((6, N_EMBED), jnp.bfloat16)


def _prep_x_body(x_ref, xaug_ref, x2_ref):
    i = pl.program_id(0)

    @pl.when(i == 0)
    def _init():
        x2_ref[...] = jnp.zeros_like(x2_ref)

    x = x_ref[...]
    xaug_ref[:, 0:DIM] = (-2.0 * x).astype(jnp.bfloat16)
    xaug_ref[:, DIM:DIM + 2] = jnp.ones((x.shape[0], 2), jnp.bfloat16)
    xaug_ref[:, DIM + 2:KAUG] = jnp.zeros((x.shape[0], 6), jnp.bfloat16)
    x2_ref[...] += jnp.reshape(jnp.sum(x * x), (1, 1))


def _vq_body(xa_ref, waug_ref, idx_ref, acc_ref):
    i = pl.program_id(0)
    ni = pl.num_programs(0)

    @pl.when(i == 0)
    def _init():
        acc_ref[...] = jnp.zeros_like(acc_ref)

    xa = xa_ref[...]
    m = jnp.full((TM, 1), jnp.inf, jnp.float32)
    idx = jnp.zeros((TM, 1), jnp.float32)
    io = lax.broadcasted_iota(jnp.int32, (TM, TCK), 1).astype(jnp.float32)
    for c0 in range(0, N_EMBED, TCK):
        wc = waug_ref[:, c0:c0 + TCK]
        s = jnp.dot(xa, wc, preferred_element_type=jnp.float32)
        mc = jnp.min(s, axis=1, keepdims=True)
        ic = jnp.min(jnp.where(s == mc, io, jnp.float32(N_EMBED)),
                     axis=1, keepdims=True) + jnp.float32(c0)
        upd = mc < m
        idx = jnp.where(upd, ic, idx)
        m = jnp.where(upd, mc, m)
    idxt = jnp.swapaxes(idx.astype(jnp.int32), 0, 1)
    idx_ref[...] = idxt[None]
    acc_ref[...] += jnp.reshape(jnp.sum(m), (1, 1))


def _fin_body(counts_ref, acc_ref, x2_ref, loss_ref, perp_ref):
    total = jnp.float32(32768.0)
    p = jnp.sum(counts_ref[...], axis=0, keepdims=True) / total
    ent = jnp.sum(p * jnp.log(p + 1e-10))
    perp_ref[...] = jnp.reshape(jnp.exp(-ent), (1, 1))
    loss_ref[...] = (COMMITMENT_COST
                     * (acc_ref[...] + x2_ref[...]) / (total * DIM))


def _sc_hist(idx_hbm, out_hbm, idx_v, ones_v, z_v, hist_sh, sem):
    cid = lax.axis_index("c")
    sid = lax.axis_index("s")
    wid = cid * SC_SUBCORES + sid
    rows_per_w = idx_hbm.shape[0] // SC_WORKERS
    hist_slice = N_EMBED // SC_SUBCORES

    @pl.loop(0, hist_slice, step=16)
    def _z(j):
        z_v[pl.ds(j, 16)] = jnp.zeros((16,), jnp.float32)

    pltpu.sync_copy(z_v, hist_sh.at[pl.ds(sid * hist_slice, hist_slice)])

    @pl.loop(0, 128, step=16)
    def _o(j):
        ones_v[pl.ds(j, 16)] = jnp.ones((16,), jnp.float32)

    pltpu.async_copy(idx_hbm.at[pl.ds(wid * rows_per_w, rows_per_w)],
                     idx_v, sem).wait()
    plsc.subcore_barrier()

    for j in range(8):
        pltpu.sync_copy(ones_v, hist_sh.at[idx_v.at[j]], add=True)

    plsc.subcore_barrier()
    pltpu.sync_copy(hist_sh.at[pl.ds(sid * hist_slice, hist_slice)],
                    out_hbm.at[cid, pl.ds(sid * hist_slice, hist_slice)])


def kernel(input, w):
    x = input.reshape(-1, DIM)
    n = x.shape[0]
    ni = n // TM

    waug = pl.pallas_call(
        _prep_w_body,
        in_specs=[pl.BlockSpec((DIM, N_EMBED), lambda: (0, 0))],
        out_specs=pl.BlockSpec((KAUG, N_EMBED), lambda: (0, 0)),
        out_shape=jax.ShapeDtypeStruct((KAUG, N_EMBED), jnp.bfloat16),
    )(w)

    xaug, x2sum = pl.pallas_call(
        _prep_x_body,
        grid=(ni,),
        in_specs=[pl.BlockSpec((TM, DIM), lambda i: (i, 0))],
        out_specs=[
            pl.BlockSpec((TM, KAUG), lambda i: (i, 0)),
            pl.BlockSpec((1, 1), lambda i: (0, 0)),
        ],
        out_shape=[
            jax.ShapeDtypeStruct((n, KAUG), jnp.bfloat16),
            jax.ShapeDtypeStruct((1, 1), jnp.float32),
        ],
    )(x)

    idx3, acc = pl.pallas_call(
        _vq_body,
        grid=(ni,),
        in_specs=[
            pl.BlockSpec((TM, KAUG), lambda i: (i, 0)),
            pl.BlockSpec((KAUG, N_EMBED), lambda i: (0, 0)),
        ],
        out_specs=[
            pl.BlockSpec((1, 1, TM), lambda i: (i, 0, 0)),
            pl.BlockSpec((1, 1), lambda i: (0, 0)),
        ],
        out_shape=[
            jax.ShapeDtypeStruct((ni, 1, TM), jnp.int32),
            jax.ShapeDtypeStruct((1, 1), jnp.float32),
        ],
    )(xaug, waug)

    idx2 = idx3.reshape(n // 128, 128)

    hist_kernel = functools.partial(
        pl.kernel,
        mesh=plsc.VectorSubcoreMesh(core_axis_name="c", subcore_axis_name="s"),
        out_type=jax.ShapeDtypeStruct((SC_CORES, N_EMBED), jnp.float32),
        scratch_types=[
            pltpu.VMEM((n // SC_WORKERS // 128, 128), jnp.int32),
            pltpu.VMEM((128,), jnp.float32),
            pltpu.VMEM((N_EMBED // SC_SUBCORES,), jnp.float32),
            pltpu.VMEM_SHARED((N_EMBED,), jnp.float32),
            pltpu.SemaphoreType.DMA,
        ],
    )(_sc_hist)
    counts = hist_kernel(idx2)

    loss, perp = pl.pallas_call(
        _fin_body,
        in_specs=[
            pl.BlockSpec((SC_CORES, N_EMBED), lambda: (0, 0)),
            pl.BlockSpec((1, 1), lambda: (0, 0)),
            pl.BlockSpec((1, 1), lambda: (0, 0)),
        ],
        out_specs=[
            pl.BlockSpec((1, 1), lambda: (0, 0)),
            pl.BlockSpec((1, 1), lambda: (0, 0)),
        ],
        out_shape=[
            jax.ShapeDtypeStruct((1, 1), jnp.float32),
            jax.ShapeDtypeStruct((1, 1), jnp.float32),
        ],
    )(counts, acc, x2sum)
    return loss[0, 0], perp[0, 0]

# --- scband reference (transcript-rebuilt; emitter-appended) ---
"""Pipeline reference for scband-vector-quantizer-ema-34737695490440 (READ-ONLY COPY).

The authoritative reference and input builder live on the scoring server;
editing this copy changes nothing except your own understanding.
"""

import jax, jax.numpy as jnp
import numpy as np

DIM = 256
N_EMBED = 8192
COMMITMENT_COST = 0.25


def setup_inputs(seed: int = 0) -> dict:
    key = jax.random.key(seed)
    k1, k2 = jax.random.split(key)
    inp = jax.random.normal(k1, (32, 1024, DIM), dtype=jnp.float32)
    w = jax.random.normal(k2, (DIM, N_EMBED), dtype=jnp.float32)
    return {"input": inp, "w": w}


def reference(input, w):
    # Eval-mode forward of VectorQuantizerEMA (EMA buffer updates skipped;
    # they do not affect the returned values within a single forward).
    dim = w.shape[0]
    n_embed = w.shape[1]
    flatten = input.reshape(-1, dim)
    dist = (jnp.sum(flatten ** 2, axis=1, keepdims=True)
            - 2.0 * flatten @ w
            + jnp.sum(w ** 2, axis=0, keepdims=True))
    embed_ind = jnp.argmax(-dist, axis=1)
    embed_onehot = jax.nn.one_hot(embed_ind, n_embed, dtype=flatten.dtype)
    embed_ind_shaped = embed_ind.reshape(input.shape[:-1])
    # embedding lookup into transposed codebook: gather rows of w.T
    quantize = jnp.take(w.T, embed_ind_shaped, axis=0)
    e_latent_loss = jnp.mean((jax.lax.stop_gradient(quantize) - input) ** 2)
    loss = COMMITMENT_COST * e_latent_loss
    avg_probs = jnp.mean(embed_onehot, axis=0)
    perplexity = jnp.exp(-jnp.sum(avg_probs * jnp.log(avg_probs + 1e-10)))
    return (loss, perplexity)

if __name__ == "__main__":
    import jax
    _d = setup_inputs()
    print(jax.jit(kernel)(*tuple(_d.values())))

</pallas_src>

<mosaic_0001>
#map = affine_map<(d0, d1) -> (0, 0)>
module attributes {stable_mosaic.version = 14 : i64} {
  func.func @_sc_hist(%arg0: i32, %arg1: i32, %arg2: memref<256x128xi32, #tpu.memory_space<hbm>>, %arg3: memref<2x8192xf32, #tpu.memory_space<hbm>>, %arg4: memref<8x128xi32, #tpu.memory_space<vmem>>, %arg5: memref<128xf32, #tpu.memory_space<vmem>>, %arg6: memref<512xf32, #tpu.memory_space<vmem>>, %arg7: memref<8192xf32, #tpu.memory_space<vmem_shared>>, %arg8: memref<!tpu.dma_semaphore, #tpu.memory_space<semaphore_mem>>) attributes {dimension_semantics = [#tpu.dimension_semantics<core_parallel>, #tpu.dimension_semantics<subcore_parallel>], iteration_bounds = array<i64: 2, 16>, scalar_prefetch = 0 : i64, scratch_operands = 5 : i64, tpu.core_type = #tpu.core_type<sc_vector_subcore>, window_params = [{transform_indices = #map}, {transform_indices = #map}]} {
    %mul3A = arith.constant 16 : i32
    %mul3A_0 = arith.muli %arg0, %mul3A : i32
    %add3A = arith.addi %mul3A_0, %arg1 : i32
    %scan3A = arith.constant 0 : i32
    %scan3A_1 = arith.constant 32 : i32
    %scan3A_2 = arith.addi %scan3A, %scan3A_1 : i32
    %scan3A_3 = arith.constant 1 : i32
    scf.for %scan3A_32 = %scan3A to %scan3A_2 step %scan3A_3  : i32 {
      %mul3A_33 = arith.constant 16 : i32
      %mul3A_34 = arith.muli %scan3A_32, %mul3A_33 : i32
      %add3A_35 = arith.constant 0 : i32
      %add3A_36 = arith.addi %add3A_35, %mul3A_34 : i32
      %broadcast_in_dim3A = arith.constant 0.000000e+00 : f32
      %broadcast_in_dim3A_37 = vector.broadcast %broadcast_in_dim3A : f32 to vector<16xf32>
      %swap3A = arith.index_cast %add3A_36 : i32 to index
      %swap3A_38 = tpu.vector_load %arg6[%swap3A] {strides = array<i32>} : memref<512xf32, #tpu.memory_space<vmem>>, vector<16xf32>,
      %swap3A_39 = vector.shape_cast %swap3A_38 : vector<16xf32> to vector<16xf32>
      %swap3A_40 = vector.shape_cast %broadcast_in_dim3A_37 : vector<16xf32> to vector<16xf32>
      tpu.vector_store %arg6[%swap3A], %swap3A_40 {strides = array<i32>} : memref<512xf32, #tpu.memory_space<vmem>>, vector<16xf32>,
    }
    %scan3A_4 = arith.constant 32 : i32
    %mul3A_5 = arith.constant 512 : i32
    %mul3A_6 = arith.muli %arg1, %mul3A_5 : i32
    "tpu.region"() ({
      %run_scoped3A_32 = tpu.sem_alloc : memref<!tpu.dma_semaphore, #tpu.memory_space<semaphore_mem>>
      %dma_start3A_33 = tpu.memref_slice %arg7[%mul3A_6] : memref<8192xf32, #tpu.memory_space<vmem_shared>> -> memref<512xf32, #tpu.memory_space<vmem_shared>>
      %dma_start3A_34 = tpu.memref_slice %arg7[%mul3A_6] : memref<8192xf32, #tpu.memory_space<vmem_shared>> -> memref<512xf32, #tpu.memory_space<vmem_shared>>
      tpu.enqueue_dma source(%arg6 : memref<512xf32, #tpu.memory_space<vmem>>) target(%dma_start3A_34 : memref<512xf32, #tpu.memory_space<vmem_shared>>) target_semaphore(%run_scoped3A_32 : memref<!tpu.dma_semaphore, #tpu.memory_space<semaphore_mem>>)
      %dma_wait3A_35 = tpu.memref_slice %arg7[%mul3A_6] : memref<8192xf32, #tpu.memory_space<vmem_shared>> -> memref<512xf32, #tpu.memory_space<vmem_shared>>
      %dma_wait3A_36 = tpu.memref_slice %arg7[%mul3A_6] : memref<8192xf32, #tpu.memory_space<vmem_shared>> -> memref<512xf32, #tpu.memory_space<vmem_shared>>
      tpu.wait_dma2 semaphore(%run_scoped3A_32 : memref<!tpu.dma_semaphore, #tpu.memory_space<semaphore_mem>>) src(%arg6 : memref<512xf32, #tpu.memory_space<vmem>>) dst(%dma_wait3A_36 : memref<512xf32, #tpu.memory_space<vmem_shared>>)
      tpu.yield
    }) : () -> ()
    %scan3A_7 = arith.constant 0 : i32
    %scan3A_8 = arith.constant 8 : i32
    %scan3A_9 = arith.addi %scan3A_7, %scan3A_8 : i32
    %scan3A_10 = arith.constant 1 : i32
    scf.for %scan3A_32 = %scan3A_7 to %scan3A_9 step %scan3A_10  : i32 {
      %mul3A_33 = arith.constant 16 : i32
      %mul3A_34 = arith.muli %scan3A_32, %mul3A_33 : i32
      %add3A_35 = arith.constant 0 : i32
      %add3A_36 = arith.addi %add3A_35, %mul3A_34 : i32
      %broadcast_in_dim3A = arith.constant 1.000000e+00 : f32
      %broadcast_in_dim3A_37 = vector.broadcast %broadcast_in_dim3A : f32 to vector<16xf32>
      %swap3A = arith.index_cast %add3A_36 : i32 to index
      %swap3A_38 = tpu.vector_load %arg5[%swap3A] {strides = array<i32>} : memref<128xf32, #tpu.memory_space<vmem>>, vector<16xf32>,
      %swap3A_39 = vector.shape_cast %swap3A_38 : vector<16xf32> to vector<16xf32>
      %swap3A_40 = vector.shape_cast %broadcast_in_dim3A_37 : vector<16xf32> to vector<16xf32>
      tpu.vector_store %arg5[%swap3A], %swap3A_40 {strides = array<i32>} : memref<128xf32, #tpu.memory_space<vmem>>, vector<16xf32>,
    }
    %scan3A_11 = arith.constant 8 : i32
    %mul3A_12 = arith.constant 8 : i32
    %mul3A_13 = arith.muli %add3A, %mul3A_12 : i32
    %dma_start3A = arith.constant 0 : i32
    %dma_start3A_14 = tpu.memref_slice %arg2[%mul3A_13, %dma_start3A] : memref<256x128xi32, #tpu.memory_space<hbm>> -> memref<8x128xi32, #tpu.memory_space<hbm>>
    %dma_start3A_15 = arith.constant 0 : i32
    %dma_start3A_16 = tpu.memref_slice %arg2[%mul3A_13, %dma_start3A_15] : memref<256x128xi32, #tpu.memory_space<hbm>> -> memref<8x128xi32, #tpu.memory_space<hbm>>
    tpu.enqueue_dma source(%dma_start3A_16 : memref<8x128xi32, #tpu.memory_space<hbm>>) target(%arg4 : memref<8x128xi32, #tpu.memory_space<vmem>>) target_semaphore(%arg8 : memref<!tpu.dma_semaphore, #tpu.memory_space<semaphore_mem>>)
    %dma_wait3A = arith.constant 0 : i32
    %dma_wait3A_17 = tpu.memref_slice %arg2[%mul3A_13, %dma_wait3A] : memref<256x128xi32, #tpu.memory_space<hbm>> -> memref<8x128xi32, #tpu.memory_space<hbm>>
    %dma_wait3A_18 = arith.constant 0 : i32
    %dma_wait3A_19 = tpu.memref_slice %arg2[%mul3A_13, %dma_wait3A_18] : memref<256x128xi32, #tpu.memory_space<hbm>> -> memref<8x128xi32, #tpu.memory_space<hbm>>
    tpu.wait_dma2 semaphore(%arg8 : memref<!tpu.dma_semaphore, #tpu.memory_space<semaphore_mem>>) src(%dma_wait3A_19 : memref<8x128xi32, #tpu.memory_space<hbm>>) dst(%arg4 : memref<8x128xi32, #tpu.memory_space<vmem>>)
    %barrier3A = arith.constant 0 : index
    tpu.barrier barrier_id(%barrier3A)
    %run_scoped3A = arith.constant 0 : i32
    "tpu.region"() ({
      %run_scoped3A_32 = tpu.sem_alloc : memref<!tpu.dma_semaphore, #tpu.memory_space<semaphore_mem>>
      %dma_start3A_33 = arith.constant 0 : i32
      %dma_start3A_34 = tpu.memref_slice %arg4[%run_scoped3A, %dma_start3A_33] : memref<8x128xi32, #tpu.memory_space<vmem>> -> memref<1x128xi32, #tpu.memory_space<vmem>>
      %dma_start3A_35 = tpu.memref_squeeze %dma_start3A_34 : memref<1x128xi32, #tpu.memory_space<vmem>> -> memref<128xi32, #tpu.memory_space<vmem>>
      %dma_start3A_36 = arith.constant 0 : i32
      %dma_start3A_37 = tpu.memref_slice %arg7[%dma_start3A_36] : memref<8192xf32, #tpu.memory_space<vmem_shared>> -> memref<8192xf32, #tpu.memory_space<vmem_shared>>
      tpu.enqueue_indirect_dma source(%arg5 : memref<128xf32, #tpu.memory_space<vmem>>) target(%dma_start3A_37 : memref<8192xf32, #tpu.memory_space<vmem_shared>>) offsets(%dma_start3A_35 : memref<128xi32, #tpu.memory_space<vmem>>) semaphore(%run_scoped3A_32 : memref<!tpu.dma_semaphore, #tpu.memory_space<semaphore_mem>>) {add = true}
      %dma_wait3A_38 = arith.constant 0 : i32
      %dma_wait3A_39 = tpu.memref_slice %arg4[%run_scoped3A, %dma_wait3A_38] : memref<8x128xi32, #tpu.memory_space<vmem>> -> memref<1x128xi32, #tpu.memory_space<vmem>>
      %dma_wait3A_40 = tpu.memref_squeeze %dma_wait3A_39 : memref<1x128xi32, #tpu.memory_space<vmem>> -> memref<128xi32, #tpu.memory_space<vmem>>
      %dma_wait3A_41 = arith.constant 0 : i32
      %dma_wait3A_42 = tpu.memref_slice %arg7[%dma_wait3A_41] : memref<8192xf32, #tpu.memory_space<vmem_shared>> -> memref<8192xf32, #tpu.memory_space<vmem_shared>>
      tpu.wait_indirect_dma semaphore(%run_scoped3A_32 : memref<!tpu.dma_semaphore, #tpu.memory_space<semaphore_mem>>) src(%arg5 : memref<128xf32, #tpu.memory_space<vmem>>) dst(%dma_wait3A_42 : memref<8192xf32, #tpu.memory_space<vmem_shared>>)
      tpu.yield
    }) : () -> ()
    %run_scoped3A_20 = arith.constant 1 : i32
    "tpu.region"() ({
      %run_scoped3A_32 = tpu.sem_alloc : memref<!tpu.dma_semaphore, #tpu.memory_space<semaphore_mem>>
      %dma_start3A_33 = arith.constant 0 : i32
      %dma_start3A_34 = tpu.memref_slice %arg4[%run_scoped3A_20, %dma_start3A_33] : memref<8x128xi32, #tpu.memory_space<vmem>> -> memref<1x128xi32, #tpu.memory_space<vmem>>
      %dma_start3A_35 = tpu.memref_squeeze %dma_start3A_34 : memref<1x128xi32, #tpu.memory_space<vmem>> -> memref<128xi32, #tpu.memory_space<vmem>>
      %dma_start3A_36 = arith.constant 0 : i32
      %dma_start3A_37 = tpu.memref_slice %arg7[%dma_start3A_36] : memref<8192xf32, #tpu.memory_space<vmem_shared>> -> memref<8192xf32, #tpu.memory_space<vmem_shared>>
      tpu.enqueue_indirect_dma source(%arg5 : memref<128xf32, #tpu.memory_space<vmem>>) target(%dma_start3A_37 : memref<8192xf32, #tpu.memory_space<vmem_shared>>) offsets(%dma_start3A_35 : memref<128xi32, #tpu.memory_space<vmem>>) semaphore(%run_scoped3A_32 : memref<!tpu.dma_semaphore, #tpu.memory_space<semaphore_mem>>) {add = true}
      %dma_wait3A_38 = arith.constant 0 : i32
      %dma_wait3A_39 = tpu.memref_slice %arg4[%run_scoped3A_20, %dma_wait3A_38] : memref<8x128xi32, #tpu.memory_space<vmem>> -> memref<1x128xi32, #tpu.memory_space<vmem>>
      %dma_wait3A_40 = tpu.memref_squeeze %dma_wait3A_39 : memref<1x128xi32, #tpu.memory_space<vmem>> -> memref<128xi32, #tpu.memory_space<vmem>>
      %dma_wait3A_41 = arith.constant 0 : i32
      %dma_wait3A_42 = tpu.memref_slice %arg7[%dma_wait3A_41] : memref<8192xf32, #tpu.memory_space<vmem_shared>> -> memref<8192xf32, #tpu.memory_space<vmem_shared>>
      tpu.wait_indirect_dma semaphore(%run_scoped3A_32 : memref<!tpu.dma_semaphore, #tpu.memory_space<semaphore_mem>>) src(%arg5 : memref<128xf32, #tpu.memory_space<vmem>>) dst(%dma_wait3A_42 : memref<8192xf32, #tpu.memory_space<vmem_shared>>)
      tpu.yield
    }) : () -> ()
    %run_scoped3A_21 = arith.constant 2 : i32
    "tpu.region"() ({
      %run_scoped3A_32 = tpu.sem_alloc : memref<!tpu.dma_semaphore, #tpu.memory_space<semaphore_mem>>
      %dma_start3A_33 = arith.constant 0 : i32
      %dma_start3A_34 = tpu.memref_slice %arg4[%run_scoped3A_21, %dma_start3A_33] : memref<8x128xi32, #tpu.memory_space<vmem>> -> memref<1x128xi32, #tpu.memory_space<vmem>>
      %dma_start3A_35 = tpu.memref_squeeze %dma_start3A_34 : memref<1x128xi32, #tpu.memory_space<vmem>> -> memref<128xi32, #tpu.memory_space<vmem>>
      %dma_start3A_36 = arith.constant 0 : i32
      %dma_start3A_37 = tpu.memref_slice %arg7[%dma_start3A_36] : memref<8192xf32, #tpu.memory_space<vmem_shared>> -> memref<8192xf32, #tpu.memory_space<vmem_shared>>
      tpu.enqueue_indirect_dma source(%arg5 : memref<128xf32, #tpu.memory_space<vmem>>) target(%dma_start3A_37 : memref<8192xf32, #tpu.memory_space<vmem_shared>>) offsets(%dma_start3A_35 : memref<128xi32, #tpu.memory_space<vmem>>) semaphore(%run_scoped3A_32 : memref<!tpu.dma_semaphore, #tpu.memory_space<semaphore_mem>>) {add = true}
      %dma_wait3A_38 = arith.constant 0 : i32
      %dma_wait3A_39 = tpu.memref_slice %arg4[%run_scoped3A_21, %dma_wait3A_38] : memref<8x128xi32, #tpu.memory_space<vmem>> -> memref<1x128xi32, #tpu.memory_space<vmem>>
      %dma_wait3A_40 = tpu.memref_squeeze %dma_wait3A_39 : memref<1x128xi32, #tpu.memory_space<vmem>> -> memref<128xi32, #tpu.memory_space<vmem>>
      %dma_wait3A_41 = arith.constant 0 : i32
      %dma_wait3A_42 = tpu.memref_slice %arg7[%dma_wait3A_41] : memref<8192xf32, #tpu.memory_space<vmem_shared>> -> memref<8192xf32, #tpu.memory_space<vmem_shared>>
      tpu.wait_indirect_dma semaphore(%run_scoped3A_32 : memref<!tpu.dma_semaphore, #tpu.memory_space<semaphore_mem>>) src(%arg5 : memref<128xf32, #tpu.memory_space<vmem>>) dst(%dma_wait3A_42 : memref<8192xf32, #tpu.memory_space<vmem_shared>>)
      tpu.yield
    }) : () -> ()
    %run_scoped3A_22 = arith.constant 3 : i32
    "tpu.region"() ({
      %run_scoped3A_32 = tpu.sem_alloc : memref<!tpu.dma_semaphore, #tpu.memory_space<semaphore_mem>>
      %dma_start3A_33 = arith.constant 0 : i32
      %dma_start3A_34 = tpu.memref_slice %arg4[%run_scoped3A_22, %dma_start3A_33] : memref<8x128xi32, #tpu.memory_space<vmem>> -> memref<1x128xi32, #tpu.memory_space<vmem>>
      %dma_start3A_35 = tpu.memref_squeeze %dma_start3A_34 : memref<1x128xi32, #tpu.memory_space<vmem>> -> memref<128xi32, #tpu.memory_space<vmem>>
      %dma_start3A_36 = arith.constant 0 : i32
      %dma_start3A_37 = tpu.memref_slice %arg7[%dma_start3A_36] : memref<8192xf32, #tpu.memory_space<vmem_shared>> -> memref<8192xf32, #tpu.memory_space<vmem_shared>>
      tpu.enqueue_indirect_dma source(%arg5 : memref<128xf32, #tpu.memory_space<vmem>>) target(%dma_start3A_37 : memref<8192xf32, #tpu.memory_space<vmem_shared>>) offsets(%dma_start3A_35 : memref<128xi32, #tpu.memory_space<vmem>>) semaphore(%run_scoped3A_32 : memref<!tpu.dma_semaphore, #tpu.memory_space<semaphore_mem>>) {add = true}
      %dma_wait3A_38 = arith.constant 0 : i32
      %dma_wait3A_39 = tpu.memref_slice %arg4[%run_scoped3A_22, %dma_wait3A_38] : memref<8x128xi32, #tpu.memory_space<vmem>> -> memref<1x128xi32, #tpu.memory_space<vmem>>
      %dma_wait3A_40 = tpu.memref_squeeze %dma_wait3A_39 : memref<1x128xi32, #tpu.memory_space<vmem>> -> memref<128xi32, #tpu.memory_space<vmem>>
      %dma_wait3A_41 = arith.constant 0 : i32
      %dma_wait3A_42 = tpu.memref_slice %arg7[%dma_wait3A_41] : memref<8192xf32, #tpu.memory_space<vmem_shared>> -> memref<8192xf32, #tpu.memory_space<vmem_shared>>
      tpu.wait_indirect_dma semaphore(%run_scoped3A_32 : memref<!tpu.dma_semaphore, #tpu.memory_space<semaphore_mem>>) src(%arg5 : memref<128xf32, #tpu.memory_space<vmem>>) dst(%dma_wait3A_42 : memref<8192xf32, #tpu.memory_space<vmem_shared>>)
      tpu.yield
    }) : () -> ()
    %run_scoped3A_23 = arith.constant 4 : i32
    "tpu.region"() ({
      %run_scoped3A_32 = tpu.sem_alloc : memref<!tpu.dma_semaphore, #tpu.memory_space<semaphore_mem>>
      %dma_start3A_33 = arith.constant 0 : i32
      %dma_start3A_34 = tpu.memref_slice %arg4[%run_scoped3A_23, %dma_start3A_33] : memref<8x128xi32, #tpu.memory_space<vmem>> -> memref<1x128xi32, #tpu.memory_space<vmem>>
      %dma_start3A_35 = tpu.memref_squeeze %dma_start3A_34 : memref<1x128xi32, #tpu.memory_space<vmem>> -> memref<128xi32, #tpu.memory_space<vmem>>
      %dma_start3A_36 = arith.constant 0 : i32
      %dma_start3A_37 = tpu.memref_slice %arg7[%dma_start3A_36] : memref<8192xf32, #tpu.memory_space<vmem_shared>> -> memref<8192xf32, #tpu.memory_space<vmem_shared>>
      tpu.enqueue_indirect_dma source(%arg5 : memref<128xf32, #tpu.memory_space<vmem>>) target(%dma_start3A_37 : memref<8192xf32, #tpu.memory_space<vmem_shared>>) offsets(%dma_start3A_35 : memref<128xi32, #tpu.memory_space<vmem>>) semaphore(%run_scoped3A_32 : memref<!tpu.dma_semaphore, #tpu.memory_space<semaphore_mem>>) {add = true}
      %dma_wait3A_38 = arith.constant 0 : i32
      %dma_wait3A_39 = tpu.memref_slice %arg4[%run_scoped3A_23, %dma_wait3A_38] : memref<8x128xi32, #tpu.memory_space<vmem>> -> memref<1x128xi32, #tpu.memory_space<vmem>>
      %dma_wait3A_40 = tpu.memref_squeeze %dma_wait3A_39 : memref<1x128xi32, #tpu.memory_space<vmem>> -> memref<128xi32, #tpu.memory_space<vmem>>
      %dma_wait3A_41 = arith.constant 0 : i32
      %dma_wait3A_42 = tpu.memref_slice %arg7[%dma_wait3A_41] : memref<8192xf32, #tpu.memory_space<vmem_shared>> -> memref<8192xf32, #tpu.memory_space<vmem_shared>>
      tpu.wait_indirect_dma semaphore(%run_scoped3A_32 : memref<!tpu.dma_semaphore, #tpu.memory_space<semaphore_mem>>) src(%arg5 : memref<128xf32, #tpu.memory_space<vmem>>) dst(%dma_wait3A_42 : memref<8192xf32, #tpu.memory_space<vmem_shared>>)
      tpu.yield
    }) : () -> ()
    %run_scoped3A_24 = arith.constant 5 : i32
    "tpu.region"() ({
      %run_scoped3A_32 = tpu.sem_alloc : memref<!tpu.dma_semaphore, #tpu.memory_space<semaphore_mem>>
      %dma_start3A_33 = arith.constant 0 : i32
      %dma_start3A_34 = tpu.memref_slice %arg4[%run_scoped3A_24, %dma_start3A_33] : memref<8x128xi32, #tpu.memory_space<vmem>> -> memref<1x128xi32, #tpu.memory_space<vmem>>
      %dma_start3A_35 = tpu.memref_squeeze %dma_start3A_34 : memref<1x128xi32, #tpu.memory_space<vmem>> -> memref<128xi32, #tpu.memory_space<vmem>>
      %dma_start3A_36 = arith.constant 0 : i32
      %dma_start3A_37 = tpu.memref_slice %arg7[%dma_start3A_36] : memref<8192xf32, #tpu.memory_space<vmem_shared>> -> memref<8192xf32, #tpu.memory_space<vmem_shared>>
      tpu.enqueue_indirect_dma source(%arg5 : memref<128xf32, #tpu.memory_space<vmem>>) target(%dma_start3A_37 : memref<8192xf32, #tpu.memory_space<vmem_shared>>) offsets(%dma_start3A_35 : memref<128xi32, #tpu.memory_space<vmem>>) semaphore(%run_scoped3A_32 : memref<!tpu.dma_semaphore, #tpu.memory_space<semaphore_mem>>) {add = true}
      %dma_wait3A_38 = arith.constant 0 : i32
      %dma_wait3A_39 = tpu.memref_slice %arg4[%run_scoped3A_24, %dma_wait3A_38] : memref<8x128xi32, #tpu.memory_space<vmem>> -> memref<1x128xi32, #tpu.memory_space<vmem>>
      %dma_wait3A_40 = tpu.memref_squeeze %dma_wait3A_39 : memref<1x128xi32, #tpu.memory_space<vmem>> -> memref<128xi32, #tpu.memory_space<vmem>>
      %dma_wait3A_41 = arith.constant 0 : i32
      %dma_wait3A_42 = tpu.memref_slice %arg7[%dma_wait3A_41] : memref<8192xf32, #tpu.memory_space<vmem_shared>> -> memref<8192xf32, #tpu.memory_space<vmem_shared>>
      tpu.wait_indirect_dma semaphore(%run_scoped3A_32 : memref<!tpu.dma_semaphore, #tpu.memory_space<semaphore_mem>>) src(%arg5 : memref<128xf32, #tpu.memory_space<vmem>>) dst(%dma_wait3A_42 : memref<8192xf32, #tpu.memory_space<vmem_shared>>)
      tpu.yield
    }) : () -> ()
    %run_scoped3A_25 = arith.constant 6 : i32
    "tpu.region"() ({
      %run_scoped3A_32 = tpu.sem_alloc : memref<!tpu.dma_semaphore, #tpu.memory_space<semaphore_mem>>
      %dma_start3A_33 = arith.constant 0 : i32
      %dma_start3A_34 = tpu.memref_slice %arg4[%run_scoped3A_25, %dma_start3A_33] : memref<8x128xi32, #tpu.memory_space<vmem>> -> memref<1x128xi32, #tpu.memory_space<vmem>>
      %dma_start3A_35 = tpu.memref_squeeze %dma_start3A_34 : memref<1x128xi32, #tpu.memory_space<vmem>> -> memref<128xi32, #tpu.memory_space<vmem>>
      %dma_start3A_36 = arith.constant 0 : i32
      %dma_start3A_37 = tpu.memref_slice %arg7[%dma_start3A_36] : memref<8192xf32, #tpu.memory_space<vmem_shared>> -> memref<8192xf32, #tpu.memory_space<vmem_shared>>
      tpu.enqueue_indirect_dma source(%arg5 : memref<128xf32, #tpu.memory_space<vmem>>) target(%dma_start3A_37 : memref<8192xf32, #tpu.memory_space<vmem_shared>>) offsets(%dma_start3A_35 : memref<128xi32, #tpu.memory_space<vmem>>) semaphore(%run_scoped3A_32 : memref<!tpu.dma_semaphore, #tpu.memory_space<semaphore_mem>>) {add = true}
      %dma_wait3A_38 = arith.constant 0 : i32
      %dma_wait3A_39 = tpu.memref_slice %arg4[%run_scoped3A_25, %dma_wait3A_38] : memref<8x128xi32, #tpu.memory_space<vmem>> -> memref<1x128xi32, #tpu.memory_space<vmem>>
      %dma_wait3A_40 = tpu.memref_squeeze %dma_wait3A_39 : memref<1x128xi32, #tpu.memory_space<vmem>> -> memref<128xi32, #tpu.memory_space<vmem>>
      %dma_wait3A_41 = arith.constant 0 : i32
      %dma_wait3A_42 = tpu.memref_slice %arg7[%dma_wait3A_41] : memref<8192xf32, #tpu.memory_space<vmem_shared>> -> memref<8192xf32, #tpu.memory_space<vmem_shared>>
      tpu.wait_indirect_dma semaphore(%run_scoped3A_32 : memref<!tpu.dma_semaphore, #tpu.memory_space<semaphore_mem>>) src(%arg5 : memref<128xf32, #tpu.memory_space<vmem>>) dst(%dma_wait3A_42 : memref<8192xf32, #tpu.memory_space<vmem_shared>>)
      tpu.yield
    }) : () -> ()
    %run_scoped3A_26 = arith.constant 7 : i32
    "tpu.region"() ({
      %run_scoped3A_32 = tpu.sem_alloc : memref<!tpu.dma_semaphore, #tpu.memory_space<semaphore_mem>>
      %dma_start3A_33 = arith.constant 0 : i32
      %dma_start3A_34 = tpu.memref_slice %arg4[%run_scoped3A_26, %dma_start3A_33] : memref<8x128xi32, #tpu.memory_space<vmem>> -> memref<1x128xi32, #tpu.memory_space<vmem>>
      %dma_start3A_35 = tpu.memref_squeeze %dma_start3A_34 : memref<1x128xi32, #tpu.memory_space<vmem>> -> memref<128xi32, #tpu.memory_space<vmem>>
      %dma_start3A_36 = arith.constant 0 : i32
      %dma_start3A_37 = tpu.memref_slice %arg7[%dma_start3A_36] : memref<8192xf32, #tpu.memory_space<vmem_shared>> -> memref<8192xf32, #tpu.memory_space<vmem_shared>>
      tpu.enqueue_indirect_dma source(%arg5 : memref<128xf32, #tpu.memory_space<vmem>>) target(%dma_start3A_37 : memref<8192xf32, #tpu.memory_space<vmem_shared>>) offsets(%dma_start3A_35 : memref<128xi32, #tpu.memory_space<vmem>>) semaphore(%run_scoped3A_32 : memref<!tpu.dma_semaphore, #tpu.memory_space<semaphore_mem>>) {add = true}
      %dma_wait3A_38 = arith.constant 0 : i32
      %dma_wait3A_39 = tpu.memref_slice %arg4[%run_scoped3A_26, %dma_wait3A_38] : memref<8x128xi32, #tpu.memory_space<vmem>> -> memref<1x128xi32, #tpu.memory_space<vmem>>
      %dma_wait3A_40 = tpu.memref_squeeze %dma_wait3A_39 : memref<1x128xi32, #tpu.memory_space<vmem>> -> memref<128xi32, #tpu.memory_space<vmem>>
      %dma_wait3A_41 = arith.constant 0 : i32
      %dma_wait3A_42 = tpu.memref_slice %arg7[%dma_wait3A_41] : memref<8192xf32, #tpu.memory_space<vmem_shared>> -> memref<8192xf32, #tpu.memory_space<vmem_shared>>
      tpu.wait_indirect_dma semaphore(%run_scoped3A_32 : memref<!tpu.dma_semaphore, #tpu.memory_space<semaphore_mem>>) src(%arg5 : memref<128xf32, #tpu.memory_space<vmem>>) dst(%dma_wait3A_42 : memref<8192xf32, #tpu.memory_space<vmem_shared>>)
      tpu.yield
    }) : () -> ()
    %barrier3A_27 = arith.constant 0 : index
    tpu.barrier barrier_id(%barrier3A_27)
    %mul3A_28 = arith.constant 512 : i32
    %mul3A_29 = arith.muli %arg1, %mul3A_28 : i32
    %mul3A_30 = arith.constant 512 : i32
    %mul3A_31 = arith.muli %arg1, %mul3A_30 : i32
    "tpu.region"() ({
      %run_scoped3A_32 = tpu.sem_alloc : memref<!tpu.dma_semaphore, #tpu.memory_space<semaphore_mem>>
      %dma_start3A_33 = tpu.memref_slice %arg3[%arg0, %mul3A_31] : memref<2x8192xf32, #tpu.memory_space<hbm>> -> memref<1x512xf32, #tpu.memory_space<hbm>>
      %dma_start3A_34 = tpu.memref_squeeze %dma_start3A_33 : memref<1x512xf32, #tpu.memory_space<hbm>> -> memref<512xf32, #tpu.memory_space<hbm>>
      %dma_start3A_35 = tpu.memref_slice %arg7[%mul3A_29] : memref<8192xf32, #tpu.memory_space<vmem_shared>> -> memref<512xf32, #tpu.memory_space<vmem_shared>>
      tpu.enqueue_dma source(%dma_start3A_35 : memref<512xf32, #tpu.memory_space<vmem_shared>>) target(%dma_start3A_34 : memref<512xf32, #tpu.memory_space<hbm>>) target_semaphore(%run_scoped3A_32 : memref<!tpu.dma_semaphore, #tpu.memory_space<semaphore_mem>>)
      %dma_wait3A_36 = tpu.memref_slice %arg3[%arg0, %mul3A_31] : memref<2x8192xf32, #tpu.memory_space<hbm>> -> memref<1x512xf32, #tpu.memory_space<hbm>>
      %dma_wait3A_37 = tpu.memref_squeeze %dma_wait3A_36 : memref<1x512xf32, #tpu.memory_space<hbm>> -> memref<512xf32, #tpu.memory_space<hbm>>
      %dma_wait3A_38 = tpu.memref_slice %arg7[%mul3A_29] : memref<8192xf32, #tpu.memory_space<vmem_shared>> -> memref<512xf32, #tpu.memory_space<vmem_shared>>
      tpu.wait_dma2 semaphore(%run_scoped3A_32 : memref<!tpu.dma_semaphore, #tpu.memory_space<semaphore_mem>>) src(%dma_wait3A_38 : memref<512xf32, #tpu.memory_space<vmem_shared>>) dst(%dma_wait3A_37 : memref<512xf32, #tpu.memory_space<hbm>>)
      tpu.yield
    }) : () -> ()
    return
  }
}

module attributes {stable_mosaic.version = 14 : i64} {
  func.func @_prep_w_body(%arg0: memref<256x8192xf32, #tpu.memory_space<vmem>>, %arg1: memref<264x8192xbf16, #tpu.memory_space<vmem>>) attributes {dimension_semantics = [], scalar_prefetch = 0 : i64, scratch_operands = 0 : i64, tpu.core_type = #tpu.core_type<tc>} {
    %get3A = arith.constant 0 : index
    %get3A_0 = arith.constant 0 : index
    %get3A_1 = vector.load %arg0[%get3A, %get3A_0] : memref<256x8192xf32, #tpu.memory_space<vmem>>, vector<256x8192xf32>
    %mul3A = arith.mulf %get3A_1, %get3A_1 : vector<256x8192xf32>
    %reduce_sum3A = arith.constant dense<0.000000e+00> : vector<8192xf32>
    %reduce_sum3A_2 = vector.multi_reduction <add>, %mul3A, %reduce_sum3A [0] : vector<256x8192xf32> to vector<8192xf32>
    %broadcast_in_dim3A = vector.shape_cast %reduce_sum3A_2 : vector<8192xf32> to vector<1x8192xf32>
    %convert_element_type3A = arith.truncf %broadcast_in_dim3A : vector<1x8192xf32> to vector<1x8192xbf16>
    %convert_element_type3A_3 = arith.extf %convert_element_type3A : vector<1x8192xbf16> to vector<1x8192xf32>
    %sub3A = arith.subf %broadcast_in_dim3A, %convert_element_type3A_3 : vector<1x8192xf32>
    %convert_element_type3A_4 = arith.truncf %sub3A : vector<1x8192xf32> to vector<1x8192xbf16>
    %convert_element_type3A_5 = arith.truncf %get3A_1 : vector<256x8192xf32> to vector<256x8192xbf16>
    %swap3A = arith.constant 0 : index
    %swap3A_6 = arith.constant 0 : index
    %swap3A_7 = vector.load %arg1[%swap3A, %swap3A_6] : memref<264x8192xbf16, #tpu.memory_space<vmem>>, vector<256x8192xbf16>
    tpu.vector_store %arg1[%swap3A, %swap3A_6], %convert_element_type3A_5 {strides = array<i32>} : memref<264x8192xbf16, #tpu.memory_space<vmem>>, vector<256x8192xbf16>,
    %swap3A_8 = arith.constant 256 : index
    %swap3A_9 = arith.constant 0 : index
    %swap3A_10 = vector.load %arg1[%swap3A_8, %swap3A_9] : memref<264x8192xbf16, #tpu.memory_space<vmem>>, vector<1x8192xbf16>
    tpu.vector_store %arg1[%swap3A_8, %swap3A_9], %convert_element_type3A {strides = array<i32>} : memref<264x8192xbf16, #tpu.memory_space<vmem>>, vector<1x8192xbf16>,
    %swap3A_11 = arith.constant 257 : index
    %swap3A_12 = arith.constant 0 : index
    %swap3A_13 = vector.load %arg1[%swap3A_11, %swap3A_12] : memref<264x8192xbf16, #tpu.memory_space<vmem>>, vector<1x8192xbf16>
    tpu.vector_store %arg1[%swap3A_11, %swap3A_12], %convert_element_type3A_4 {strides = array<i32>} : memref<264x8192xbf16, #tpu.memory_space<vmem>>, vector<1x8192xbf16>,
    %broadcast_in_dim3A_14 = arith.constant 0.000000e+00 : bf16
    %broadcast_in_dim3A_15 = vector.broadcast %broadcast_in_dim3A_14 : bf16 to vector<6x8192xbf16>
    %swap3A_16 = arith.constant 258 : index
    %swap3A_17 = arith.constant 0 : index
    %swap3A_18 = vector.load %arg1[%swap3A_16, %swap3A_17] : memref<264x8192xbf16, #tpu.memory_space<vmem>>, vector<6x8192xbf16>
    tpu.vector_store %arg1[%swap3A_16, %swap3A_17], %broadcast_in_dim3A_15 {strides = array<i32>} : memref<264x8192xbf16, #tpu.memory_space<vmem>>, vector<6x8192xbf16>,
    return
  }
}

module attributes {stable_mosaic.version = 14 : i64} {
  func.func @_prep_x_body(%arg0: i32, %arg1: memref<2048x256xf32, #tpu.memory_space<vmem>>, %arg2: memref<2048x264xbf16, #tpu.memory_space<vmem>>, %arg3: memref<1x1xf32, #tpu.memory_space<vmem>>) attributes {dimension_semantics = [#tpu.dimension_semantics<arbitrary>], iteration_bounds = array<i64: 16>, scalar_prefetch = 0 : i64, scratch_operands = 0 : i64, tpu.core_type = #tpu.core_type<tc>, window_params = [{transform_indices = @transform_0, window_bounds = array<i64: 2048, 256>}, {transform_indices = @transform_1, window_bounds = array<i64: 2048, 264>}, {pipeline_mode = #tpu.pipeline_mode<synchronous>, transform_indices = @transform_2, window_bounds = array<i64: 1, 1>}]} {
    %eq3A = arith.constant 0 : i32
    %eq3A_0 = arith.cmpi eq, %arg0, %eq3A : i32
    %convert_element_type3A = arith.extui %eq3A_0 : i1 to i32
    %cond3A = arith.constant 0 : i32
    %cond3A_1 = arith.cmpi ne, %convert_element_type3A, %cond3A : i32
    scf.if %cond3A_1 {
      %broadcast_in_dim3A_29 = arith.constant 0.000000e+00 : f32
      %broadcast_in_dim3A_30 = vector.broadcast %broadcast_in_dim3A_29 : f32 to vector<1x1xf32>
      %swap3A_31 = arith.constant 0 : index
      %swap3A_32 = arith.constant 0 : index
      %swap3A_33 = vector.load %arg3[%swap3A_31, %swap3A_32] : memref<1x1xf32, #tpu.memory_space<vmem>>, vector<1x1xf32>
      tpu.vector_store %arg3[%swap3A_31, %swap3A_32], %broadcast_in_dim3A_30 {strides = array<i32>} : memref<1x1xf32, #tpu.memory_space<vmem>>, vector<1x1xf32>,
    } else {
    }
    %get3A = arith.constant 0 : index
    %get3A_2 = arith.constant 0 : index
    %get3A_3 = vector.load %arg1[%get3A, %get3A_2] : memref<2048x256xf32, #tpu.memory_space<vmem>>, vector<2048x256xf32>
    %mul3A = arith.constant -2.000000e+00 : f32
    %mul3A_4 = vector.broadcast %mul3A : f32 to vector<2048x256xf32>
    %mul3A_5 = arith.mulf %mul3A_4, %get3A_3 : vector<2048x256xf32>
    %convert_element_type3A_6 = arith.truncf %mul3A_5 : vector<2048x256xf32> to vector<2048x256xbf16>
    %swap3A = arith.constant 0 : index
    %swap3A_7 = arith.constant 0 : index
    %swap3A_8 = vector.load %arg2[%swap3A, %swap3A_7] : memref<2048x264xbf16, #tpu.memory_space<vmem>>, vector<2048x256xbf16>
    tpu.vector_store %arg2[%swap3A, %swap3A_7], %convert_element_type3A_6 {strides = array<i32>} : memref<2048x264xbf16, #tpu.memory_space<vmem>>, vector<2048x256xbf16>,
    %broadcast_in_dim3A = arith.constant 1.000000e+00 : bf16
    %broadcast_in_dim3A_9 = vector.broadcast %broadcast_in_dim3A : bf16 to vector<2048x2xbf16>
    %swap3A_10 = arith.constant 0 : index
    %swap3A_11 = arith.constant 256 : index
    %swap3A_12 = vector.load %arg2[%swap3A_10, %swap3A_11] : memref<2048x264xbf16, #tpu.memory_space<vmem>>, vector<2048x2xbf16>
    tpu.vector_store %arg2[%swap3A_10, %swap3A_11], %broadcast_in_dim3A_9 {strides = array<i32>} : memref<2048x264xbf16, #tpu.memory_space<vmem>>, vector<2048x2xbf16>,
    %broadcast_in_dim3A_13 = arith.constant 0.000000e+00 : bf16
    %broadcast_in_dim3A_14 = vector.broadcast %broadcast_in_dim3A_13 : bf16 to vector<2048x6xbf16>
    %swap3A_15 = arith.constant 0 : index
    %swap3A_16 = arith.constant 258 : index
    %swap3A_17 = vector.load %arg2[%swap3A_15, %swap3A_16] : memref<2048x264xbf16, #tpu.memory_space<vmem>>, vector<2048x6xbf16>
    tpu.vector_store %arg2[%swap3A_15, %swap3A_16], %broadcast_in_dim3A_14 {strides = array<i32>} : memref<2048x264xbf16, #tpu.memory_space<vmem>>, vector<2048x6xbf16>,
    %get3A_18 = arith.constant 0 : index
    %get3A_19 = arith.constant 0 : index
    %get3A_20 = vector.load %arg3[%get3A_18, %get3A_19] : memref<1x1xf32, #tpu.memory_space<vmem>>, vector<1x1xf32>
    %mul3A_21 = arith.mulf %get3A_3, %get3A_3 : vector<2048x256xf32>
    %reduce_sum3A = vector.shape_cast %mul3A_21 : vector<2048x256xf32> to vector<1x2048x256xf32>
    %reduce_sum3A_22 = arith.constant dense<0.000000e+00> : vector<1xf32>
    %reduce_sum3A_23 = vector.multi_reduction <add>, %reduce_sum3A, %reduce_sum3A_22 [1, 2] : vector<1x2048x256xf32> to vector<1xf32>
    %reduce_sum3A_24 = vector.shape_cast %reduce_sum3A_23 : vector<1xf32> to vector<1x1x1xf32>
    %reduce_sum3A_25 = vector.extract %reduce_sum3A_24[0, 0, 0] : f32 from vector<1x1x1xf32>
    %reshape3A = vector.broadcast %reduce_sum3A_25 : f32 to vector<1x1xf32>
    %add3A = arith.addf %get3A_20, %reshape3A : vector<1x1xf32>
    %swap3A_26 = arith.constant 0 : index
    %swap3A_27 = arith.constant 0 : index
    %swap3A_28 = vector.load %arg3[%swap3A_26, %swap3A_27] : memref<1x1xf32, #tpu.memory_space<vmem>>, vector<1x1xf32>
    tpu.vector_store %arg3[%swap3A_26, %swap3A_27], %add3A {strides = array<i32>} : memref<1x1xf32, #tpu.memory_space<vmem>>, vector<1x1xf32>,
    return
  }
  func.func @transform_0(%arg0: i32) -> (i32, i32) {
    %c0_i32 = arith.constant 0 : i32
    %c0_i32_0 = arith.constant 0 : i32
    return %arg0, %c0_i32 : i32, i32
  }
  func.func @transform_1(%arg0: i32) -> (i32, i32) {
    %c0_i32 = arith.constant 0 : i32
    %c0_i32_0 = arith.constant 0 : i32
    return %arg0, %c0_i32 : i32, i32
  }
  func.func @transform_2(%arg0: i32) -> (i32, i32) {
    %c0_i32 = arith.constant 0 : i32
    %c0_i32_0 = arith.constant 0 : i32
    %c0_i32_1 = arith.constant 0 : i32
    return %c0_i32, %c0_i32_0 : i32, i32
  }
}

module attributes {stable_mosaic.version = 14 : i64} {
  func.func @_fin_body(%arg0: memref<2x8192xf32, #tpu.memory_space<vmem>>, %arg1: memref<1x1xf32, #tpu.memory_space<vmem>>, %arg2: memref<1x1xf32, #tpu.memory_space<vmem>>, %arg3: memref<1x1xf32, #tpu.memory_space<vmem>>, %arg4: memref<1x1xf32, #tpu.memory_space<vmem>>) attributes {dimension_semantics = [], scalar_prefetch = 0 : i64, scratch_operands = 0 : i64, tpu.core_type = #tpu.core_type<tc>} {
    %get3A = arith.constant 0 : index
    %get3A_0 = arith.constant 0 : index
    %get3A_1 = vector.load %arg0[%get3A, %get3A_0] : memref<2x8192xf32, #tpu.memory_space<vmem>>, vector<2x8192xf32>
    %reduce_sum3A = arith.constant dense<0.000000e+00> : vector<8192xf32>
    %reduce_sum3A_2 = vector.multi_reduction <add>, %get3A_1, %reduce_sum3A [0] : vector<2x8192xf32> to vector<8192xf32>
    %broadcast_in_dim3A = vector.shape_cast %reduce_sum3A_2 : vector<8192xf32> to vector<1x8192xf32>
    %div3A = arith.constant 3.276800e+04 : f32
    %div3A_3 = vector.broadcast %div3A : f32 to vector<1x8192xf32>
    %div3A_4 = arith.divf %broadcast_in_dim3A, %div3A_3 : vector<1x8192xf32>
    %add3A = arith.constant 1.000000e-10 : f32
    %add3A_5 = vector.broadcast %add3A : f32 to vector<1x8192xf32>
    %add3A_6 = arith.addf %div3A_4, %add3A_5 : vector<1x8192xf32>
    %log3A = math.log %add3A_6 : vector<1x8192xf32>
    %mul3A = arith.mulf %div3A_4, %log3A : vector<1x8192xf32>
    %reduce_sum3A_7 = vector.shape_cast %mul3A : vector<1x8192xf32> to vector<1x1x8192xf32>
    %reduce_sum3A_8 = arith.constant dense<0.000000e+00> : vector<1xf32>
    %reduce_sum3A_9 = vector.multi_reduction <add>, %reduce_sum3A_7, %reduce_sum3A_8 [1, 2] : vector<1x1x8192xf32> to vector<1xf32>
    %reduce_sum3A_10 = vector.shape_cast %reduce_sum3A_9 : vector<1xf32> to vector<1x1x1xf32>
    %reduce_sum3A_11 = vector.extract %reduce_sum3A_10[0, 0, 0] : f32 from vector<1x1x1xf32>
    %neg3A = arith.constant 0.000000e+00 : f32
    %neg3A_12 = arith.subf %neg3A, %reduce_sum3A_11 : f32
    %exp3A = math.exp %neg3A_12 : f32
    %reshape3A = vector.broadcast %exp3A : f32 to vector<1x1xf32>
    %swap3A = arith.constant 0 : index
    %swap3A_13 = arith.constant 0 : index
    %swap3A_14 = vector.load %arg4[%swap3A, %swap3A_13] : memref<1x1xf32, #tpu.memory_space<vmem>>, vector<1x1xf32>
    tpu.vector_store %arg4[%swap3A, %swap3A_13], %reshape3A {strides = array<i32>} : memref<1x1xf32, #tpu.memory_space<vmem>>, vector<1x1xf32>,
    %get3A_15 = arith.constant 0 : index
    %get3A_16 = arith.constant 0 : index
    %get3A_17 = vector.load %arg1[%get3A_15, %get3A_16] : memref<1x1xf32, #tpu.memory_space<vmem>>, vector<1x1xf32>
    %get3A_18 = arith.constant 0 : index
    %get3A_19 = arith.constant 0 : index
    %get3A_20 = vector.load %arg2[%get3A_18, %get3A_19] : memref<1x1xf32, #tpu.memory_space<vmem>>, vector<1x1xf32>
    %add3A_21 = arith.addf %get3A_17, %get3A_20 : vector<1x1xf32>
    %mul3A_22 = arith.constant 2.500000e-01 : f32
    %mul3A_23 = vector.broadcast %mul3A_22 : f32 to vector<1x1xf32>
    %mul3A_24 = arith.mulf %mul3A_23, %add3A_21 : vector<1x1xf32>
    %mul3A_25 = arith.constant 3.276800e+04 : f32
    %mul3A_26 = arith.constant 2.560000e+02 : f32
    %mul3A_27 = arith.mulf %mul3A_25, %mul3A_26 : f32
    %div3A_28 = vector.broadcast %mul3A_27 : f32 to vector<1x1xf32>
    %div3A_29 = arith.divf %mul3A_24, %div3A_28 : vector<1x1xf32>
    %swap3A_30 = arith.constant 0 : index
    %swap3A_31 = arith.constant 0 : index
    %swap3A_32 = vector.load %arg3[%swap3A_30, %swap3A_31] : memref<1x1xf32, #tpu.memory_space<vmem>>, vector<1x1xf32>
    tpu.vector_store %arg3[%swap3A_30, %swap3A_31], %div3A_29 {strides = array<i32>} : memref<1x1xf32, #tpu.memory_space<vmem>>, vector<1x1xf32>,
    return
  }
}

module attributes {stable_mosaic.version = 14 : i64} {
  func.func @_vq_body(%arg0: i32, %arg1: memref<2048x264xbf16, #tpu.memory_space<vmem>>, %arg2: memref<264x8192xbf16, #tpu.memory_space<vmem>>, %arg3: memref<1x1x2048xi32, #tpu.memory_space<vmem>>, %arg4: memref<1x1xf32, #tpu.memory_space<vmem>>) attributes {dimension_semantics = [#tpu.dimension_semantics<arbitrary>], iteration_bounds = array<i64: 16>, scalar_prefetch = 0 : i64, scratch_operands = 0 : i64, tpu.core_type = #tpu.core_type<tc>, window_params = [{transform_indices = @transform_0, window_bounds = array<i64: 2048, 264>}, {pipeline_mode = #tpu.pipeline_mode<synchronous>, transform_indices = @transform_1, window_bounds = array<i64: 264, 8192>}, {transform_indices = @transform_2, window_bounds = array<i64: 1, 1, 2048>}, {pipeline_mode = #tpu.pipeline_mode<synchronous>, transform_indices = @transform_3, window_bounds = array<i64: 1, 1>}]} {
    %eq3A = arith.constant 0 : i32
    %eq3A_0 = arith.cmpi eq, %arg0, %eq3A : i32
    %convert_element_type3A = arith.extui %eq3A_0 : i1 to i32
    %cond3A = arith.constant 0 : i32
    %cond3A_1 = arith.cmpi ne, %convert_element_type3A, %cond3A : i32
    scf.if %cond3A_1 {
      %broadcast_in_dim3A_722 = arith.constant 0.000000e+00 : f32
      %broadcast_in_dim3A_723 = vector.broadcast %broadcast_in_dim3A_722 : f32 to vector<1x1xf32>
      %swap3A_724 = arith.constant 0 : index
      %swap3A_725 = arith.constant 0 : index
      %swap3A_726 = vector.load %arg4[%swap3A_724, %swap3A_725] : memref<1x1xf32, #tpu.memory_space<vmem>>, vector<1x1xf32>
      tpu.vector_store %arg4[%swap3A_724, %swap3A_725], %broadcast_in_dim3A_723 {strides = array<i32>} : memref<1x1xf32, #tpu.memory_space<vmem>>, vector<1x1xf32>,
    } else {
    }
    %get3A = arith.constant 0 : index
    %get3A_2 = arith.constant 0 : index
    %get3A_3 = vector.load %arg1[%get3A, %get3A_2] : memref<2048x264xbf16, #tpu.memory_space<vmem>>, vector<2048x264xbf16>
    %broadcast_in_dim3A = arith.constant 0x7F800000 : f32
    %broadcast_in_dim3A_4 = vector.broadcast %broadcast_in_dim3A : f32 to vector<2048x1xf32>
    %broadcast_in_dim3A_5 = arith.constant 0.000000e+00 : f32
    %broadcast_in_dim3A_6 = vector.broadcast %broadcast_in_dim3A_5 : f32 to vector<2048x1xf32>
    %iota3A = tpu.iota {dimensions = array<i32: 1>} : vector<2048x256xi32>
    %convert_element_type3A_7 = arith.sitofp %iota3A : vector<2048x256xi32> to vector<2048x256xf32>
    %get3A_8 = arith.constant 0 : index
    %get3A_9 = arith.constant 0 : index
    %get3A_10 = vector.load %arg2[%get3A_8, %get3A_9] : memref<264x8192xbf16, #tpu.memory_space<vmem>>, vector<264x256xbf16>
    %dot_general3A = arith.constant dense<0.000000e+00> : vector<2048x256xf32>
    %dot_general3A_11 = tpu.matmul %get3A_3, %get3A_10, %dot_general3A {dimension_numbers = #tpu.dot_dimension_numbers<[1], [0], [0], [1], [0, 0, 1, 1], [], []>, transpose_lhs_hint = false} : vector<2048x264xbf16>, vector<264x256xbf16>, vector<2048x256xf32> -> vector<2048x256xf32>
    %reduce_min3A = arith.constant dense<0x7F800000> : vector<2048xf32>
    %reduce_min3A_12 = vector.multi_reduction <minimumf>, %dot_general3A_11, %reduce_min3A [1] : vector<2048x256xf32> to vector<2048xf32>
    %broadcast_in_dim3A_13 = vector.shape_cast %reduce_min3A_12 : vector<2048xf32> to vector<2048x1xf32>
    %eq3A_14 = vector.broadcast %broadcast_in_dim3A_13 : vector<2048x1xf32> to vector<2048x256xf32>
    %eq3A_15 = arith.cmpf oeq, %dot_general3A_11, %eq3A_14 : vector<2048x256xf32>
    %jit3A = arith.constant 8.192000e+03 : f32
    %broadcast_in_dim3A_16 = vector.broadcast %jit3A : f32 to vector<2048x256xf32>
    %select_n3A = arith.select %eq3A_15, %convert_element_type3A_7, %broadcast_in_dim3A_16 : vector<2048x256xi1>, vector<2048x256xf32>
    %reduce_min3A_17 = arith.constant dense<0x7F800000> : vector<2048xf32>
    %reduce_min3A_18 = vector.multi_reduction <minimumf>, %select_n3A, %reduce_min3A_17 [1] : vector<2048x256xf32> to vector<2048xf32>
    %broadcast_in_dim3A_19 = vector.shape_cast %reduce_min3A_18 : vector<2048xf32> to vector<2048x1xf32>
    %add3A = arith.constant 0.000000e+00 : f32
    %add3A_20 = vector.broadcast %add3A : f32 to vector<2048x1xf32>
    %add3A_21 = arith.addf %broadcast_in_dim3A_19, %add3A_20 : vector<2048x1xf32>
    %lt3A = arith.cmpf olt, %broadcast_in_dim3A_13, %broadcast_in_dim3A_4 : vector<2048x1xf32>
    %select_n3A_22 = arith.select %lt3A, %add3A_21, %broadcast_in_dim3A_6 : vector<2048x1xi1>, vector<2048x1xf32>
    %select_n3A_23 = arith.select %lt3A, %broadcast_in_dim3A_13, %broadcast_in_dim3A_4 : vector<2048x1xi1>, vector<2048x1xf32>
    %get3A_24 = arith.constant 0 : index
    %get3A_25 = arith.constant 256 : index
    %get3A_26 = vector.load %arg2[%get3A_24, %get3A_25] : memref<264x8192xbf16, #tpu.memory_space<vmem>>, vector<264x256xbf16>
    %dot_general3A_27 = arith.constant dense<0.000000e+00> : vector<2048x256xf32>
    %dot_general3A_28 = tpu.matmul %get3A_3, %get3A_26, %dot_general3A_27 {dimension_numbers = #tpu.dot_dimension_numbers<[1], [0], [0], [1], [0, 0, 1, 1], [], []>, transpose_lhs_hint = false} : vector<2048x264xbf16>, vector<264x256xbf16>, vector<2048x256xf32> -> vector<2048x256xf32>
    %reduce_min3A_29 = arith.constant dense<0x7F800000> : vector<2048xf32>
    %reduce_min3A_30 = vector.multi_reduction <minimumf>, %dot_general3A_28, %reduce_min3A_29 [1] : vector<2048x256xf32> to vector<2048xf32>
    %broadcast_in_dim3A_31 = vector.shape_cast %reduce_min3A_30 : vector<2048xf32> to vector<2048x1xf32>
    %eq3A_32 = vector.broadcast %broadcast_in_dim3A_31 : vector<2048x1xf32> to vector<2048x256xf32>
    %eq3A_33 = arith.cmpf oeq, %dot_general3A_28, %eq3A_32 : vector<2048x256xf32>
    %jit3A_34 = arith.constant 8.192000e+03 : f32
    %broadcast_in_dim3A_35 = vector.broadcast %jit3A_34 : f32 to vector<2048x256xf32>
    %select_n3A_36 = arith.select %eq3A_33, %convert_element_type3A_7, %broadcast_in_dim3A_35 : vector<2048x256xi1>, vector<2048x256xf32>
    %reduce_min3A_37 = arith.constant dense<0x7F800000> : vector<2048xf32>
    %reduce_min3A_38 = vector.multi_reduction <minimumf>, %select_n3A_36, %reduce_min3A_37 [1] : vector<2048x256xf32> to vector<2048xf32>
    %broadcast_in_dim3A_39 = vector.shape_cast %reduce_min3A_38 : vector<2048xf32> to vector<2048x1xf32>
    %add3A_40 = arith.constant 2.560000e+02 : f32
    %add3A_41 = vector.broadcast %add3A_40 : f32 to vector<2048x1xf32>
    %add3A_42 = arith.addf %broadcast_in_dim3A_39, %add3A_41 : vector<2048x1xf32>
    %lt3A_43 = arith.cmpf olt, %broadcast_in_dim3A_31, %select_n3A_23 : vector<2048x1xf32>
    %select_n3A_44 = arith.select %lt3A_43, %add3A_42, %select_n3A_22 : vector<2048x1xi1>, vector<2048x1xf32>
    %select_n3A_45 = arith.select %lt3A_43, %broadcast_in_dim3A_31, %select_n3A_23 : vector<2048x1xi1>, vector<2048x1xf32>
    %get3A_46 = arith.constant 0 : index
    %get3A_47 = arith.constant 512 : index
    %get3A_48 = vector.load %arg2[%get3A_46, %get3A_47] : memref<264x8192xbf16, #tpu.memory_space<vmem>>, vector<264x256xbf16>
    %dot_general3A_49 = arith.constant dense<0.000000e+00> : vector<2048x256xf32>
    %dot_general3A_50 = tpu.matmul %get3A_3, %get3A_48, %dot_general3A_49 {dimension_numbers = #tpu.dot_dimension_numbers<[1], [0], [0], [1], [0, 0, 1, 1], [], []>, transpose_lhs_hint = false} : vector<2048x264xbf16>, vector<264x256xbf16>, vector<2048x256xf32> -> vector<2048x256xf32>
    %reduce_min3A_51 = arith.constant dense<0x7F800000> : vector<2048xf32>
    %reduce_min3A_52 = vector.multi_reduction <minimumf>, %dot_general3A_50, %reduce_min3A_51 [1] : vector<2048x256xf32> to vector<2048xf32>
    %broadcast_in_dim3A_53 = vector.shape_cast %reduce_min3A_52 : vector<2048xf32> to vector<2048x1xf32>
    %eq3A_54 = vector.broadcast %broadcast_in_dim3A_53 : vector<2048x1xf32> to vector<2048x256xf32>
    %eq3A_55 = arith.cmpf oeq, %dot_general3A_50, %eq3A_54 : vector<2048x256xf32>
    %jit3A_56 = arith.constant 8.192000e+03 : f32
    %broadcast_in_dim3A_57 = vector.broadcast %jit3A_56 : f32 to vector<2048x256xf32>
    %select_n3A_58 = arith.select %eq3A_55, %convert_element_type3A_7, %broadcast_in_dim3A_57 : vector<2048x256xi1>, vector<2048x256xf32>
    %reduce_min3A_59 = arith.constant dense<0x7F800000> : vector<2048xf32>
    %reduce_min3A_60 = vector.multi_reduction <minimumf>, %select_n3A_58, %reduce_min3A_59 [1] : vector<2048x256xf32> to vector<2048xf32>
    %broadcast_in_dim3A_61 = vector.shape_cast %reduce_min3A_60 : vector<2048xf32> to vector<2048x1xf32>
    %add3A_62 = arith.constant 5.120000e+02 : f32
    %add3A_63 = vector.broadcast %add3A_62 : f32 to vector<2048x1xf32>
    %add3A_64 = arith.addf %broadcast_in_dim3A_61, %add3A_63 : vector<2048x1xf32>
    %lt3A_65 = arith.cmpf olt, %broadcast_in_dim3A_53, %select_n3A_45 : vector<2048x1xf32>
    %select_n3A_66 = arith.select %lt3A_65, %add3A_64, %select_n3A_44 : vector<2048x1xi1>, vector<2048x1xf32>
    %select_n3A_67 = arith.select %lt3A_65, %broadcast_in_dim3A_53, %select_n3A_45 : vector<2048x1xi1>, vector<2048x1xf32>
    %get3A_68 = arith.constant 0 : index
    %get3A_69 = arith.constant 768 : index
    %get3A_70 = vector.load %arg2[%get3A_68, %get3A_69] : memref<264x8192xbf16, #tpu.memory_space<vmem>>, vector<264x256xbf16>
    %dot_general3A_71 = arith.constant dense<0.000000e+00> : vector<2048x256xf32>
    %dot_general3A_72 = tpu.matmul %get3A_3, %get3A_70, %dot_general3A_71 {dimension_numbers = #tpu.dot_dimension_numbers<[1], [0], [0], [1], [0, 0, 1, 1], [], []>, transpose_lhs_hint = false} : vector<2048x264xbf16>, vector<264x256xbf16>, vector<2048x256xf32> -> vector<2048x256xf32>
    %reduce_min3A_73 = arith.constant dense<0x7F800000> : vector<2048xf32>
    %reduce_min3A_74 = vector.multi_reduction <minimumf>, %dot_general3A_72, %reduce_min3A_73 [1] : vector<2048x256xf32> to vector<2048xf32>
    %broadcast_in_dim3A_75 = vector.shape_cast %reduce_min3A_74 : vector<2048xf32> to vector<2048x1xf32>
    %eq3A_76 = vector.broadcast %broadcast_in_dim3A_75 : vector<2048x1xf32> to vector<2048x256xf32>
    %eq3A_77 = arith.cmpf oeq, %dot_general3A_72, %eq3A_76 : vector<2048x256xf32>
    %jit3A_78 = arith.constant 8.192000e+03 : f32
    %broadcast_in_dim3A_79 = vector.broadcast %jit3A_78 : f32 to vector<2048x256xf32>
    %select_n3A_80 = arith.select %eq3A_77, %convert_element_type3A_7, %broadcast_in_dim3A_79 : vector<2048x256xi1>, vector<2048x256xf32>
    %reduce_min3A_81 = arith.constant dense<0x7F800000> : vector<2048xf32>
    %reduce_min3A_82 = vector.multi_reduction <minimumf>, %select_n3A_80, %reduce_min3A_81 [1] : vector<2048x256xf32> to vector<2048xf32>
    %broadcast_in_dim3A_83 = vector.shape_cast %reduce_min3A_82 : vector<2048xf32> to vector<2048x1xf32>
    %add3A_84 = arith.constant 7.680000e+02 : f32
    %add3A_85 = vector.broadcast %add3A_84 : f32 to vector<2048x1xf32>
    %add3A_86 = arith.addf %broadcast_in_dim3A_83, %add3A_85 : vector<2048x1xf32>
    %lt3A_87 = arith.cmpf olt, %broadcast_in_dim3A_75, %select_n3A_67 : vector<2048x1xf32>
    %select_n3A_88 = arith.select %lt3A_87, %add3A_86, %select_n3A_66 : vector<2048x1xi1>, vector<2048x1xf32>
    %select_n3A_89 = arith.select %lt3A_87, %broadcast_in_dim3A_75, %select_n3A_67 : vector<2048x1xi1>, vector<2048x1xf32>
    %get3A_90 = arith.constant 0 : index
    %get3A_91 = arith.constant 1024 : index
    %get3A_92 = vector.load %arg2[%get3A_90, %get3A_91] : memref<264x8192xbf16, #tpu.memory_space<vmem>>, vector<264x256xbf16>
    %dot_general3A_93 = arith.constant dense<0.000000e+00> : vector<2048x256xf32>
    %dot_general3A_94 = tpu.matmul %get3A_3, %get3A_92, %dot_general3A_93 {dimension_numbers = #tpu.dot_dimension_numbers<[1], [0], [0], [1], [0, 0, 1, 1], [], []>, transpose_lhs_hint = false} : vector<2048x264xbf16>, vector<264x256xbf16>, vector<2048x256xf32> -> vector<2048x256xf32>
    %reduce_min3A_95 = arith.constant dense<0x7F800000> : vector<2048xf32>
    %reduce_min3A_96 = vector.multi_reduction <minimumf>, %dot_general3A_94, %reduce_min3A_95 [1] : vector<2048x256xf32> to vector<2048xf32>
    %broadcast_in_dim3A_97 = vector.shape_cast %reduce_min3A_96 : vector<2048xf32> to vector<2048x1xf32>
    %eq3A_98 = vector.broadcast %broadcast_in_dim3A_97 : vector<2048x1xf32> to vector<2048x256xf32>
    %eq3A_99 = arith.cmpf oeq, %dot_general3A_94, %eq3A_98 : vector<2048x256xf32>
    %jit3A_100 = arith.constant 8.192000e+03 : f32
    %broadcast_in_dim3A_101 = vector.broadcast %jit3A_100 : f32 to vector<2048x256xf32>
    %select_n3A_102 = arith.select %eq3A_99, %convert_element_type3A_7, %broadcast_in_dim3A_101 : vector<2048x256xi1>, vector<2048x256xf32>
    %reduce_min3A_103 = arith.constant dense<0x7F800000> : vector<2048xf32>
    %reduce_min3A_104 = vector.multi_reduction <minimumf>, %select_n3A_102, %reduce_min3A_103 [1] : vector<2048x256xf32> to vector<2048xf32>
    %broadcast_in_dim3A_105 = vector.shape_cast %reduce_min3A_104 : vector<2048xf32> to vector<2048x1xf32>
    %add3A_106 = arith.constant 1.024000e+03 : f32
    %add3A_107 = vector.broadcast %add3A_106 : f32 to vector<2048x1xf32>
    %add3A_108 = arith.addf %broadcast_in_dim3A_105, %add3A_107 : vector<2048x1xf32>
    %lt3A_109 = arith.cmpf olt, %broadcast_in_dim3A_97, %select_n3A_89 : vector<2048x1xf32>
    %select_n3A_110 = arith.select %lt3A_109, %add3A_108, %select_n3A_88 : vector<2048x1xi1>, vector<2048x1xf32>
    %select_n3A_111 = arith.select %lt3A_109, %broadcast_in_dim3A_97, %select_n3A_89 : vector<2048x1xi1>, vector<2048x1xf32>
    %get3A_112 = arith.constant 0 : index
    %get3A_113 = arith.constant 1280 : index
    %get3A_114 = vector.load %arg2[%get3A_112, %get3A_113] : memref<264x8192xbf16, #tpu.memory_space<vmem>>, vector<264x256xbf16>
    %dot_general3A_115 = arith.constant dense<0.000000e+00> : vector<2048x256xf32>
    %dot_general3A_116 = tpu.matmul %get3A_3, %get3A_114, %dot_general3A_115 {dimension_numbers = #tpu.dot_dimension_numbers<[1], [0], [0], [1], [0, 0, 1, 1], [], []>, transpose_lhs_hint = false} : vector<2048x264xbf16>, vector<264x256xbf16>, vector<2048x256xf32> -> vector<2048x256xf32>
    %reduce_min3A_117 = arith.constant dense<0x7F800000> : vector<2048xf32>
    %reduce_min3A_118 = vector.multi_reduction <minimumf>, %dot_general3A_116, %reduce_min3A_117 [1] : vector<2048x256xf32> to vector<2048xf32>
    %broadcast_in_dim3A_119 = vector.shape_cast %reduce_min3A_118 : vector<2048xf32> to vector<2048x1xf32>
    %eq3A_120 = vector.broadcast %broadcast_in_dim3A_119 : vector<2048x1xf32> to vector<2048x256xf32>
    %eq3A_121 = arith.cmpf oeq, %dot_general3A_116, %eq3A_120 : vector<2048x256xf32>
    %jit3A_122 = arith.constant 8.192000e+03 : f32
    %broadcast_in_dim3A_123 = vector.broadcast %jit3A_122 : f32 to vector<2048x256xf32>
    %select_n3A_124 = arith.select %eq3A_121, %convert_element_type3A_7, %broadcast_in_dim3A_123 : vector<2048x256xi1>, vector<2048x256xf32>
    %reduce_min3A_125 = arith.constant dense<0x7F800000> : vector<2048xf32>
    %reduce_min3A_126 = vector.multi_reduction <minimumf>, %select_n3A_124, %reduce_min3A_125 [1] : vector<2048x256xf32> to vector<2048xf32>
    %broadcast_in_dim3A_127 = vector.shape_cast %reduce_min3A_126 : vector<2048xf32> to vector<2048x1xf32>
    %add3A_128 = arith.constant 1.280000e+03 : f32
    %add3A_129 = vector.broadcast %add3A_128 : f32 to vector<2048x1xf32>
    %add3A_130 = arith.addf %broadcast_in_dim3A_127, %add3A_129 : vector<2048x1xf32>
    %lt3A_131 = arith.cmpf olt, %broadcast_in_dim3A_119, %select_n3A_111 : vector<2048x1xf32>
    %select_n3A_132 = arith.select %lt3A_131, %add3A_130, %select_n3A_110 : vector<2048x1xi1>, vector<2048x1xf32>
    %select_n3A_133 = arith.select %lt3A_131, %broadcast_in_dim3A_119, %select_n3A_111 : vector<2048x1xi1>, vector<2048x1xf32>
    %get3A_134 = arith.constant 0 : index
    %get3A_135 = arith.constant 1536 : index
    %get3A_136 = vector.load %arg2[%get3A_134, %get3A_135] : memref<264x8192xbf16, #tpu.memory_space<vmem>>, vector<264x256xbf16>
    %dot_general3A_137 = arith.constant dense<0.000000e+00> : vector<2048x256xf32>
    %dot_general3A_138 = tpu.matmul %get3A_3, %get3A_136, %dot_general3A_137 {dimension_numbers = #tpu.dot_dimension_numbers<[1], [0], [0], [1], [0, 0, 1, 1], [], []>, transpose_lhs_hint = false} : vector<2048x264xbf16>, vector<264x256xbf16>, vector<2048x256xf32> -> vector<2048x256xf32>
    %reduce_min3A_139 = arith.constant dense<0x7F800000> : vector<2048xf32>
    %reduce_min3A_140 = vector.multi_reduction <minimumf>, %dot_general3A_138, %reduce_min3A_139 [1] : vector<2048x256xf32> to vector<2048xf32>
    %broadcast_in_dim3A_141 = vector.shape_cast %reduce_min3A_140 : vector<2048xf32> to vector<2048x1xf32>
    %eq3A_142 = vector.broadcast %broadcast_in_dim3A_141 : vector<2048x1xf32> to vector<2048x256xf32>
    %eq3A_143 = arith.cmpf oeq, %dot_general3A_138, %eq3A_142 : vector<2048x256xf32>
    %jit3A_144 = arith.constant 8.192000e+03 : f32
    %broadcast_in_dim3A_145 = vector.broadcast %jit3A_144 : f32 to vector<2048x256xf32>
    %select_n3A_146 = arith.select %eq3A_143, %convert_element_type3A_7, %broadcast_in_dim3A_145 : vector<2048x256xi1>, vector<2048x256xf32>
    %reduce_min3A_147 = arith.constant dense<0x7F800000> : vector<2048xf32>
    %reduce_min3A_148 = vector.multi_reduction <minimumf>, %select_n3A_146, %reduce_min3A_147 [1] : vector<2048x256xf32> to vector<2048xf32>
    %broadcast_in_dim3A_149 = vector.shape_cast %reduce_min3A_148 : vector<2048xf32> to vector<2048x1xf32>
    %add3A_150 = arith.constant 1.536000e+03 : f32
    %add3A_151 = vector.broadcast %add3A_150 : f32 to vector<2048x1xf32>
    %add3A_152 = arith.addf %broadcast_in_dim3A_149, %add3A_151 : vector<2048x1xf32>
    %lt3A_153 = arith.cmpf olt, %broadcast_in_dim3A_141, %select_n3A_133 : vector<2048x1xf32>
    %select_n3A_154 = arith.select %lt3A_153, %add3A_152, %select_n3A_132 : vector<2048x1xi1>, vector<2048x1xf32>
    %select_n3A_155 = arith.select %lt3A_153, %broadcast_in_dim3A_141, %select_n3A_133 : vector<2048x1xi1>, vector<2048x1xf32>
    %get3A_156 = arith.constant 0 : index
    %get3A_157 = arith.constant 1792 : index
    %get3A_158 = vector.load %arg2[%get3A_156, %get3A_157] : memref<264x8192xbf16, #tpu.memory_space<vmem>>, vector<264x256xbf16>
    %dot_general3A_159 = arith.constant dense<0.000000e+00> : vector<2048x256xf32>
    %dot_general3A_160 = tpu.matmul %get3A_3, %get3A_158, %dot_general3A_159 {dimension_numbers = #tpu.dot_dimension_numbers<[1], [0], [0], [1], [0, 0, 1, 1], [], []>, transpose_lhs_hint = false} : vector<2048x264xbf16>, vector<264x256xbf16>, vector<2048x256xf32> -> vector<2048x256xf32>
    %reduce_min3A_161 = arith.constant dense<0x7F800000> : vector<2048xf32>
    %reduce_min3A_162 = vector.multi_reduction <minimumf>, %dot_general3A_160, %reduce_min3A_161 [1] : vector<2048x256xf32> to vector<2048xf32>
    %broadcast_in_dim3A_163 = vector.shape_cast %reduce_min3A_162 : vector<2048xf32> to vector<2048x1xf32>
    %eq3A_164 = vector.broadcast %broadcast_in_dim3A_163 : vector<2048x1xf32> to vector<2048x256xf32>
    %eq3A_165 = arith.cmpf oeq, %dot_general3A_160, %eq3A_164 : vector<2048x256xf32>
    %jit3A_166 = arith.constant 8.192000e+03 : f32
    %broadcast_in_dim3A_167 = vector.broadcast %jit3A_166 : f32 to vector<2048x256xf32>
    %select_n3A_168 = arith.select %eq3A_165, %convert_element_type3A_7, %broadcast_in_dim3A_167 : vector<2048x256xi1>, vector<2048x256xf32>
    %reduce_min3A_169 = arith.constant dense<0x7F800000> : vector<2048xf32>
    %reduce_min3A_170 = vector.multi_reduction <minimumf>, %select_n3A_168, %reduce_min3A_169 [1] : vector<2048x256xf32> to vector<2048xf32>
    %broadcast_in_dim3A_171 = vector.shape_cast %reduce_min3A_170 : vector<2048xf32> to vector<2048x1xf32>
    %add3A_172 = arith.constant 1.792000e+03 : f32
    %add3A_173 = vector.broadcast %add3A_172 : f32 to vector<2048x1xf32>
    %add3A_174 = arith.addf %broadcast_in_dim3A_171, %add3A_173 : vector<2048x1xf32>
    %lt3A_175 = arith.cmpf olt, %broadcast_in_dim3A_163, %select_n3A_155 : vector<2048x1xf32>
    %select_n3A_176 = arith.select %lt3A_175, %add3A_174, %select_n3A_154 : vector<2048x1xi1>, vector<2048x1xf32>
    %select_n3A_177 = arith.select %lt3A_175, %broadcast_in_dim3A_163, %select_n3A_155 : vector<2048x1xi1>, vector<2048x1xf32>
    %get3A_178 = arith.constant 0 : index
    %get3A_179 = arith.constant 2048 : index
    %get3A_180 = vector.load %arg2[%get3A_178, %get3A_179] : memref<264x8192xbf16, #tpu.memory_space<vmem>>, vector<264x256xbf16>
    %dot_general3A_181 = arith.constant dense<0.000000e+00> : vector<2048x256xf32>
    %dot_general3A_182 = tpu.matmul %get3A_3, %get3A_180, %dot_general3A_181 {dimension_numbers = #tpu.dot_dimension_numbers<[1], [0], [0], [1], [0, 0, 1, 1], [], []>, transpose_lhs_hint = false} : vector<2048x264xbf16>, vector<264x256xbf16>, vector<2048x256xf32> -> vector<2048x256xf32>
    %reduce_min3A_183 = arith.constant dense<0x7F800000> : vector<2048xf32>
    %reduce_min3A_184 = vector.multi_reduction <minimumf>, %dot_general3A_182, %reduce_min3A_183 [1] : vector<2048x256xf32> to vector<2048xf32>
    %broadcast_in_dim3A_185 = vector.shape_cast %reduce_min3A_184 : vector<2048xf32> to vector<2048x1xf32>
    %eq3A_186 = vector.broadcast %broadcast_in_dim3A_185 : vector<2048x1xf32> to vector<2048x256xf32>
    %eq3A_187 = arith.cmpf oeq, %dot_general3A_182, %eq3A_186 : vector<2048x256xf32>
    %jit3A_188 = arith.constant 8.192000e+03 : f32
    %broadcast_in_dim3A_189 = vector.broadcast %jit3A_188 : f32 to vector<2048x256xf32>
    %select_n3A_190 = arith.select %eq3A_187, %convert_element_type3A_7, %broadcast_in_dim3A_189 : vector<2048x256xi1>, vector<2048x256xf32>
    %reduce_min3A_191 = arith.constant dense<0x7F800000> : vector<2048xf32>
    %reduce_min3A_192 = vector.multi_reduction <minimumf>, %select_n3A_190, %reduce_min3A_191 [1] : vector<2048x256xf32> to vector<2048xf32>
    %broadcast_in_dim3A_193 = vector.shape_cast %reduce_min3A_192 : vector<2048xf32> to vector<2048x1xf32>
    %add3A_194 = arith.constant 2.048000e+03 : f32
    %add3A_195 = vector.broadcast %add3A_194 : f32 to vector<2048x1xf32>
    %add3A_196 = arith.addf %broadcast_in_dim3A_193, %add3A_195 : vector<2048x1xf32>
    %lt3A_197 = arith.cmpf olt, %broadcast_in_dim3A_185, %select_n3A_177 : vector<2048x1xf32>
    %select_n3A_198 = arith.select %lt3A_197, %add3A_196, %select_n3A_176 : vector<2048x1xi1>, vector<2048x1xf32>
    %select_n3A_199 = arith.select %lt3A_197, %broadcast_in_dim3A_185, %select_n3A_177 : vector<2048x1xi1>, vector<2048x1xf32>
    %get3A_200 = arith.constant 0 : index
    %get3A_201 = arith.constant 2304 : index
    %get3A_202 = vector.load %arg2[%get3A_200, %get3A_201] : memref<264x8192xbf16, #tpu.memory_space<vmem>>, vector<264x256xbf16>
    %dot_general3A_203 = arith.constant dense<0.000000e+00> : vector<2048x256xf32>
    %dot_general3A_204 = tpu.matmul %get3A_3, %get3A_202, %dot_general3A_203 {dimension_numbers = #tpu.dot_dimension_numbers<[1], [0], [0], [1], [0, 0, 1, 1], [], []>, transpose_lhs_hint = false} : vector<2048x264xbf16>, vector<264x256xbf16>, vector<2048x256xf32> -> vector<2048x256xf32>
    %reduce_min3A_205 = arith.constant dense<0x7F800000> : vector<2048xf32>
    %reduce_min3A_206 = vector.multi_reduction <minimumf>, %dot_general3A_204, %reduce_min3A_205 [1] : vector<2048x256xf32> to vector<2048xf32>
    %broadcast_in_dim3A_207 = vector.shape_cast %reduce_min3A_206 : vector<2048xf32> to vector<2048x1xf32>
    %eq3A_208 = vector.broadcast %broadcast_in_dim3A_207 : vector<2048x1xf32> to vector<2048x256xf32>
    %eq3A_209 = arith.cmpf oeq, %dot_general3A_204, %eq3A_208 : vector<2048x256xf32>
    %jit3A_210 = arith.constant 8.192000e+03 : f32
    %broadcast_in_dim3A_211 = vector.broadcast %jit3A_210 : f32 to vector<2048x256xf32>
    %select_n3A_212 = arith.select %eq3A_209, %convert_element_type3A_7, %broadcast_in_dim3A_211 : vector<2048x256xi1>, vector<2048x256xf32>
    %reduce_min3A_213 = arith.constant dense<0x7F800000> : vector<2048xf32>
    %reduce_min3A_214 = vector.multi_reduction <minimumf>, %select_n3A_212, %reduce_min3A_213 [1] : vector<2048x256xf32> to vector<2048xf32>
    %broadcast_in_dim3A_215 = vector.shape_cast %reduce_min3A_214 : vector<2048xf32> to vector<2048x1xf32>
    %add3A_216 = arith.constant 2.304000e+03 : f32
    %add3A_217 = vector.broadcast %add3A_216 : f32 to vector<2048x1xf32>
    %add3A_218 = arith.addf %broadcast_in_dim3A_215, %add3A_217 : vector<2048x1xf32>
    %lt3A_219 = arith.cmpf olt, %broadcast_in_dim3A_207, %select_n3A_199 : vector<2048x1xf32>
    %select_n3A_220 = arith.select %lt3A_219, %add3A_218, %select_n3A_198 : vector<2048x1xi1>, vector<2048x1xf32>
    %select_n3A_221 = arith.select %lt3A_219, %broadcast_in_dim3A_207, %select_n3A_199 : vector<2048x1xi1>, vector<2048x1xf32>
    %get3A_222 = arith.constant 0 : index
    %get3A_223 = arith.constant 2560 : index
    %get3A_224 = vector.load %arg2[%get3A_222, %get3A_223] : memref<264x8192xbf16, #tpu.memory_space<vmem>>, vector<264x256xbf16>
    %dot_general3A_225 = arith.constant dense<0.000000e+00> : vector<2048x256xf32>
    %dot_general3A_226 = tpu.matmul %get3A_3, %get3A_224, %dot_general3A_225 {dimension_numbers = #tpu.dot_dimension_numbers<[1], [0], [0], [1], [0, 0, 1, 1], [], []>, transpose_lhs_hint = false} : vector<2048x264xbf16>, vector<264x256xbf16>, vector<2048x256xf32> -> vector<2048x256xf32>
    %reduce_min3A_227 = arith.constant dense<0x7F800000> : vector<2048xf32>
    %reduce_min3A_228 = vector.multi_reduction <minimumf>, %dot_general3A_226, %reduce_min3A_227 [1] : vector<2048x256xf32> to vector<2048xf32>
    %broadcast_in_dim3A_229 = vector.shape_cast %reduce_min3A_228 : vector<2048xf32> to vector<2048x1xf32>
    %eq3A_230 = vector.broadcast %broadcast_in_dim3A_229 : vector<2048x1xf32> to vector<2048x256xf32>
    %eq3A_231 = arith.cmpf oeq, %dot_general3A_226, %eq3A_230 : vector<2048x256xf32>
    %jit3A_232 = arith.constant 8.192000e+03 : f32
    %broadcast_in_dim3A_233 = vector.broadcast %jit3A_232 : f32 to vector<2048x256xf32>
    %select_n3A_234 = arith.select %eq3A_231, %convert_element_type3A_7, %broadcast_in_dim3A_233 : vector<2048x256xi1>, vector<2048x256xf32>
    %reduce_min3A_235 = arith.constant dense<0x7F800000> : vector<2048xf32>
    %reduce_min3A_236 = vector.multi_reduction <minimumf>, %select_n3A_234, %reduce_min3A_235 [1] : vector<2048x256xf32> to vector<2048xf32>
    %broadcast_in_dim3A_237 = vector.shape_cast %reduce_min3A_236 : vector<2048xf32> to vector<2048x1xf32>
    %add3A_238 = arith.constant 2.560000e+03 : f32
    %add3A_239 = vector.broadcast %add3A_238 : f32 to vector<2048x1xf32>
    %add3A_240 = arith.addf %broadcast_in_dim3A_237, %add3A_239 : vector<2048x1xf32>
    %lt3A_241 = arith.cmpf olt, %broadcast_in_dim3A_229, %select_n3A_221 : vector<2048x1xf32>
    %select_n3A_242 = arith.select %lt3A_241, %add3A_240, %select_n3A_220 : vector<2048x1xi1>, vector<2048x1xf32>
    %select_n3A_243 = arith.select %lt3A_241, %broadcast_in_dim3A_229, %select_n3A_221 : vector<2048x1xi1>, vector<2048x1xf32>
    %get3A_244 = arith.constant 0 : index
    %get3A_245 = arith.constant 2816 : index
    %get3A_246 = vector.load %arg2[%get3A_244, %get3A_245] : memref<264x8192xbf16, #tpu.memory_space<vmem>>, vector<264x256xbf16>
    %dot_general3A_247 = arith.constant dense<0.000000e+00> : vector<2048x256xf32>
    %dot_general3A_248 = tpu.matmul %get3A_3, %get3A_246, %dot_general3A_247 {dimension_numbers = #tpu.dot_dimension_numbers<[1], [0], [0], [1], [0, 0, 1, 1], [], []>, transpose_lhs_hint = false} : vector<2048x264xbf16>, vector<264x256xbf16>, vector<2048x256xf32> -> vector<2048x256xf32>
    %reduce_min3A_249 = arith.constant dense<0x7F800000> : vector<2048xf32>
    %reduce_min3A_250 = vector.multi_reduction <minimumf>, %dot_general3A_248, %reduce_min3A_249 [1] : vector<2048x256xf32> to vector<2048xf32>
    %broadcast_in_dim3A_251 = vector.shape_cast %reduce_min3A_250 : vector<2048xf32> to vector<2048x1xf32>
    %eq3A_252 = vector.broadcast %broadcast_in_dim3A_251 : vector<2048x1xf32> to vector<2048x256xf32>
    %eq3A_253 = arith.cmpf oeq, %dot_general3A_248, %eq3A_252 : vector<2048x256xf32>
    %jit3A_254 = arith.constant 8.192000e+03 : f32
    %broadcast_in_dim3A_255 = vector.broadcast %jit3A_254 : f32 to vector<2048x256xf32>
    %select_n3A_256 = arith.select %eq3A_253, %convert_element_type3A_7, %broadcast_in_dim3A_255 : vector<2048x256xi1>, vector<2048x256xf32>
    %reduce_min3A_257 = arith.constant dense<0x7F800000> : vector<2048xf32>
    %reduce_min3A_258 = vector.multi_reduction <minimumf>, %select_n3A_256, %reduce_min3A_257 [1] : vector<2048x256xf32> to vector<2048xf32>
    %broadcast_in_dim3A_259 = vector.shape_cast %reduce_min3A_258 : vector<2048xf32> to vector<2048x1xf32>
    %add3A_260 = arith.constant 2.816000e+03 : f32
    %add3A_261 = vector.broadcast %add3A_260 : f32 to vector<2048x1xf32>
    %add3A_262 = arith.addf %broadcast_in_dim3A_259, %add3A_261 : vector<2048x1xf32>
    %lt3A_263 = arith.cmpf olt, %broadcast_in_dim3A_251, %select_n3A_243 : vector<2048x1xf32>
    %select_n3A_264 = arith.select %lt3A_263, %add3A_262, %select_n3A_242 : vector<2048x1xi1>, vector<2048x1xf32>
    %select_n3A_265 = arith.select %lt3A_263, %broadcast_in_dim3A_251, %select_n3A_243 : vector<2048x1xi1>, vector<2048x1xf32>
    %get3A_266 = arith.constant 0 : index
    %get3A_267 = arith.constant 3072 : index
    %get3A_268 = vector.load %arg2[%get3A_266, %get3A_267] : memref<264x8192xbf16, #tpu.memory_space<vmem>>, vector<264x256xbf16>
    %dot_general3A_269 = arith.constant dense<0.000000e+00> : vector<2048x256xf32>
    %dot_general3A_270 = tpu.matmul %get3A_3, %get3A_268, %dot_general3A_269 {dimension_numbers = #tpu.dot_dimension_numbers<[1], [0], [0], [1], [0, 0, 1, 1], [], []>, transpose_lhs_hint = false} : vector<2048x264xbf16>, vector<264x256xbf16>, vector<2048x256xf32> -> vector<2048x256xf32>
    %reduce_min3A_271 = arith.constant dense<0x7F800000> : vector<2048xf32>
    %reduce_min3A_272 = vector.multi_reduction <minimumf>, %dot_general3A_270, %reduce_min3A_271 [1] : vector<2048x256xf32> to vector<2048xf32>
    %broadcast_in_dim3A_273 = vector.shape_cast %reduce_min3A_272 : vector<2048xf32> to vector<2048x1xf32>
    %eq3A_274 = vector.broadcast %broadcast_in_dim3A_273 : vector<2048x1xf32> to vector<2048x256xf32>
    %eq3A_275 = arith.cmpf oeq, %dot_general3A_270, %eq3A_274 : vector<2048x256xf32>
    %jit3A_276 = arith.constant 8.192000e+03 : f32
    %broadcast_in_dim3A_277 = vector.broadcast %jit3A_276 : f32 to vector<2048x256xf32>
    %select_n3A_278 = arith.select %eq3A_275, %convert_element_type3A_7, %broadcast_in_dim3A_277 : vector<2048x256xi1>, vector<2048x256xf32>
    %reduce_min3A_279 = arith.constant dense<0x7F800000> : vector<2048xf32>
    %reduce_min3A_280 = vector.multi_reduction <minimumf>, %select_n3A_278, %reduce_min3A_279 [1] : vector<2048x256xf32> to vector<2048xf32>
    %broadcast_in_dim3A_281 = vector.shape_cast %reduce_min3A_280 : vector<2048xf32> to vector<2048x1xf32>
    %add3A_282 = arith.constant 3.072000e+03 : f32
    %add3A_283 = vector.broadcast %add3A_282 : f32 to vector<2048x1xf32>
    %add3A_284 = arith.addf %broadcast_in_dim3A_281, %add3A_283 : vector<2048x1xf32>
    %lt3A_285 = arith.cmpf olt, %broadcast_in_dim3A_273, %select_n3A_265 : vector<2048x1xf32>
    %select_n3A_286 = arith.select %lt3A_285, %add3A_284, %select_n3A_264 : vector<2048x1xi1>, vector<2048x1xf32>
    %select_n3A_287 = arith.select %lt3A_285, %broadcast_in_dim3A_273, %select_n3A_265 : vector<2048x1xi1>, vector<2048x1xf32>
    %get3A_288 = arith.constant 0 : index
    %get3A_289 = arith.constant 3328 : index
    %get3A_290 = vector.load %arg2[%get3A_288, %get3A_289] : memref<264x8192xbf16, #tpu.memory_space<vmem>>, vector<264x256xbf16>
    %dot_general3A_291 = arith.constant dense<0.000000e+00> : vector<2048x256xf32>
    %dot_general3A_292 = tpu.matmul %get3A_3, %get3A_290, %dot_general3A_291 {dimension_numbers = #tpu.dot_dimension_numbers<[1], [0], [0], [1], [0, 0, 1, 1], [], []>, transpose_lhs_hint = false} : vector<2048x264xbf16>, vector<264x256xbf16>, vector<2048x256xf32> -> vector<2048x256xf32>
    %reduce_min3A_293 = arith.constant dense<0x7F800000> : vector<2048xf32>
    %reduce_min3A_294 = vector.multi_reduction <minimumf>, %dot_general3A_292, %reduce_min3A_293 [1] : vector<2048x256xf32> to vector<2048xf32>
    %broadcast_in_dim3A_295 = vector.shape_cast %reduce_min3A_294 : vector<2048xf32> to vector<2048x1xf32>
    %eq3A_296 = vector.broadcast %broadcast_in_dim3A_295 : vector<2048x1xf32> to vector<2048x256xf32>
    %eq3A_297 = arith.cmpf oeq, %dot_general3A_292, %eq3A_296 : vector<2048x256xf32>
    %jit3A_298 = arith.constant 8.192000e+03 : f32
    %broadcast_in_dim3A_299 = vector.broadcast %jit3A_298 : f32 to vector<2048x256xf32>
    %select_n3A_300 = arith.select %eq3A_297, %convert_element_type3A_7, %broadcast_in_dim3A_299 : vector<2048x256xi1>, vector<2048x256xf32>
    %reduce_min3A_301 = arith.constant dense<0x7F800000> : vector<2048xf32>
    %reduce_min3A_302 = vector.multi_reduction <minimumf>, %select_n3A_300, %reduce_min3A_301 [1] : vector<2048x256xf32> to vector<2048xf32>
    %broadcast_in_dim3A_303 = vector.shape_cast %reduce_min3A_302 : vector<2048xf32> to vector<2048x1xf32>
    %add3A_304 = arith.constant 3.328000e+03 : f32
    %add3A_305 = vector.broadcast %add3A_304 : f32 to vector<2048x1xf32>
    %add3A_306 = arith.addf %broadcast_in_dim3A_303, %add3A_305 : vector<2048x1xf32>
    %lt3A_307 = arith.cmpf olt, %broadcast_in_dim3A_295, %select_n3A_287 : vector<2048x1xf32>
    %select_n3A_308 = arith.select %lt3A_307, %add3A_306, %select_n3A_286 : vector<2048x1xi1>, vector<2048x1xf32>
    %select_n3A_309 = arith.select %lt3A_307, %broadcast_in_dim3A_295, %select_n3A_287 : vector<2048x1xi1>, vector<2048x1xf32>
    %get3A_310 = arith.constant 0 : index
    %get3A_311 = arith.constant 3584 : index
    %get3A_312 = vector.load %arg2[%get3A_310, %get3A_311] : memref<264x8192xbf16, #tpu.memory_space<vmem>>, vector<264x256xbf16>
    %dot_general3A_313 = arith.constant dense<0.000000e+00> : vector<2048x256xf32>
    %dot_general3A_314 = tpu.matmul %get3A_3, %get3A_312, %dot_general3A_313 {dimension_numbers = #tpu.dot_dimension_numbers<[1], [0], [0], [1], [0, 0, 1, 1], [], []>, transpose_lhs_hint = false} : vector<2048x264xbf16>, vector<264x256xbf16>, vector<2048x256xf32> -> vector<2048x256xf32>
    %reduce_min3A_315 = arith.constant dense<0x7F800000> : vector<2048xf32>
    %reduce_min3A_316 = vector.multi_reduction <minimumf>, %dot_general3A_314, %reduce_min3A_315 [1] : vector<2048x256xf32> to vector<2048xf32>
    %broadcast_in_dim3A_317 = vector.shape_cast %reduce_min3A_316 : vector<2048xf32> to vector<2048x1xf32>
    %eq3A_318 = vector.broadcast %broadcast_in_dim3A_317 : vector<2048x1xf32> to vector<2048x256xf32>
    %eq3A_319 = arith.cmpf oeq, %dot_general3A_314, %eq3A_318 : vector<2048x256xf32>
    %jit3A_320 = arith.constant 8.192000e+03 : f32
    %broadcast_in_dim3A_321 = vector.broadcast %jit3A_320 : f32 to vector<2048x256xf32>
    %select_n3A_322 = arith.select %eq3A_319, %convert_element_type3A_7, %broadcast_in_dim3A_321 : vector<2048x256xi1>, vector<2048x256xf32>
    %reduce_min3A_323 = arith.constant dense<0x7F800000> : vector<2048xf32>
    %reduce_min3A_324 = vector.multi_reduction <minimumf>, %select_n3A_322, %reduce_min3A_323 [1] : vector<2048x256xf32> to vector<2048xf32>
    %broadcast_in_dim3A_325 = vector.shape_cast %reduce_min3A_324 : vector<2048xf32> to vector<2048x1xf32>
    %add3A_326 = arith.constant 3.584000e+03 : f32
    %add3A_327 = vector.broadcast %add3A_326 : f32 to vector<2048x1xf32>
    %add3A_328 = arith.addf %broadcast_in_dim3A_325, %add3A_327 : vector<2048x1xf32>
    %lt3A_329 = arith.cmpf olt, %broadcast_in_dim3A_317, %select_n3A_309 : vector<2048x1xf32>
    %select_n3A_330 = arith.select %lt3A_329, %add3A_328, %select_n3A_308 : vector<2048x1xi1>, vector<2048x1xf32>
    %select_n3A_331 = arith.select %lt3A_329, %broadcast_in_dim3A_317, %select_n3A_309 : vector<2048x1xi1>, vector<2048x1xf32>
    %get3A_332 = arith.constant 0 : index
    %get3A_333 = arith.constant 3840 : index
    %get3A_334 = vector.load %arg2[%get3A_332, %get3A_333] : memref<264x8192xbf16, #tpu.memory_space<vmem>>, vector<264x256xbf16>
    %dot_general3A_335 = arith.constant dense<0.000000e+00> : vector<2048x256xf32>
    %dot_general3A_336 = tpu.matmul %get3A_3, %get3A_334, %dot_general3A_335 {dimension_numbers = #tpu.dot_dimension_numbers<[1], [0], [0], [1], [0, 0, 1, 1], [], []>, transpose_lhs_hint = false} : vector<2048x264xbf16>, vector<264x256xbf16>, vector<2048x256xf32> -> vector<2048x256xf32>
    %reduce_min3A_337 = arith.constant dense<0x7F800000> : vector<2048xf32>
    %reduce_min3A_338 = vector.multi_reduction <minimumf>, %dot_general3A_336, %reduce_min3A_337 [1] : vector<2048x256xf32> to vector<2048xf32>
    %broadcast_in_dim3A_339 = vector.shape_cast %reduce_min3A_338 : vector<2048xf32> to vector<2048x1xf32>
    %eq3A_340 = vector.broadcast %broadcast_in_dim3A_339 : vector<2048x1xf32> to vector<2048x256xf32>
    %eq3A_341 = arith.cmpf oeq, %dot_general3A_336, %eq3A_340 : vector<2048x256xf32>
    %jit3A_342 = arith.constant 8.192000e+03 : f32
    %broadcast_in_dim3A_343 = vector.broadcast %jit3A_342 : f32 to vector<2048x256xf32>
    %select_n3A_344 = arith.select %eq3A_341, %convert_element_type3A_7, %broadcast_in_dim3A_343 : vector<2048x256xi1>, vector<2048x256xf32>
    %reduce_min3A_345 = arith.constant dense<0x7F800000> : vector<2048xf32>
    %reduce_min3A_346 = vector.multi_reduction <minimumf>, %select_n3A_344, %reduce_min3A_345 [1] : vector<2048x256xf32> to vector<2048xf32>
    %broadcast_in_dim3A_347 = vector.shape_cast %reduce_min3A_346 : vector<2048xf32> to vector<2048x1xf32>
    %add3A_348 = arith.constant 3.840000e+03 : f32
    %add3A_349 = vector.broadcast %add3A_348 : f32 to vector<2048x1xf32>
    %add3A_350 = arith.addf %broadcast_in_dim3A_347, %add3A_349 : vector<2048x1xf32>
    %lt3A_351 = arith.cmpf olt, %broadcast_in_dim3A_339, %select_n3A_331 : vector<2048x1xf32>
    %select_n3A_352 = arith.select %lt3A_351, %add3A_350, %select_n3A_330 : vector<2048x1xi1>, vector<2048x1xf32>
    %select_n3A_353 = arith.select %lt3A_351, %broadcast_in_dim3A_339, %select_n3A_331 : vector<2048x1xi1>, vector<2048x1xf32>
    %get3A_354 = arith.constant 0 : index
    %get3A_355 = arith.constant 4096 : index
    %get3A_356 = vector.load %arg2[%get3A_354, %get3A_355] : memref<264x8192xbf16, #tpu.memory_space<vmem>>, vector<264x256xbf16>
    %dot_general3A_357 = arith.constant dense<0.000000e+00> : vector<2048x256xf32>
    %dot_general3A_358 = tpu.matmul %get3A_3, %get3A_356, %dot_general3A_357 {dimension_numbers = #tpu.dot_dimension_numbers<[1], [0], [0], [1], [0, 0, 1, 1], [], []>, transpose_lhs_hint = false} : vector<2048x264xbf16>, vector<264x256xbf16>, vector<2048x256xf32> -> vector<2048x256xf32>
    %reduce_min3A_359 = arith.constant dense<0x7F800000> : vector<2048xf32>
    %reduce_min3A_360 = vector.multi_reduction <minimumf>, %dot_general3A_358, %reduce_min3A_359 [1] : vector<2048x256xf32> to vector<2048xf32>
    %broadcast_in_dim3A_361 = vector.shape_cast %reduce_min3A_360 : vector<2048xf32> to vector<2048x1xf32>
    %eq3A_362 = vector.broadcast %broadcast_in_dim3A_361 : vector<2048x1xf32> to vector<2048x256xf32>
    %eq3A_363 = arith.cmpf oeq, %dot_general3A_358, %eq3A_362 : vector<2048x256xf32>
    %jit3A_364 = arith.constant 8.192000e+03 : f32
    %broadcast_in_dim3A_365 = vector.broadcast %jit3A_364 : f32 to vector<2048x256xf32>
    %select_n3A_366 = arith.select %eq3A_363, %convert_element_type3A_7, %broadcast_in_dim3A_365 : vector<2048x256xi1>, vector<2048x256xf32>
    %reduce_min3A_367 = arith.constant dense<0x7F800000> : vector<2048xf32>
    %reduce_min3A_368 = vector.multi_reduction <minimumf>, %select_n3A_366, %reduce_min3A_367 [1] : vector<2048x256xf32> to vector<2048xf32>
    %broadcast_in_dim3A_369 = vector.shape_cast %reduce_min3A_368 : vector<2048xf32> to vector<2048x1xf32>
    %add3A_370 = arith.constant 4.096000e+03 : f32
    %add3A_371 = vector.broadcast %add3A_370 : f32 to vector<2048x1xf32>
    %add3A_372 = arith.addf %broadcast_in_dim3A_369, %add3A_371 : vector<2048x1xf32>
    %lt3A_373 = arith.cmpf olt, %broadcast_in_dim3A_361, %select_n3A_353 : vector<2048x1xf32>
    %select_n3A_374 = arith.select %lt3A_373, %add3A_372, %select_n3A_352 : vector<2048x1xi1>, vector<2048x1xf32>
    %select_n3A_375 = arith.select %lt3A_373, %broadcast_in_dim3A_361, %select_n3A_353 : vector<2048x1xi1>, vector<2048x1xf32>
    %get3A_376 = arith.constant 0 : index
    %get3A_377 = arith.constant 4352 : index
    %get3A_378 = vector.load %arg2[%get3A_376, %get3A_377] : memref<264x8192xbf16, #tpu.memory_space<vmem>>, vector<264x256xbf16>
    %dot_general3A_379 = arith.constant dense<0.000000e+00> : vector<2048x256xf32>
    %dot_general3A_380 = tpu.matmul %get3A_3, %get3A_378, %dot_general3A_379 {dimension_numbers = #tpu.dot_dimension_numbers<[1], [0], [0], [1], [0, 0, 1, 1], [], []>, transpose_lhs_hint = false} : vector<2048x264xbf16>, vector<264x256xbf16>, vector<2048x256xf32> -> vector<2048x256xf32>
    %reduce_min3A_381 = arith.constant dense<0x7F800000> : vector<2048xf32>
    %reduce_min3A_382 = vector.multi_reduction <minimumf>, %dot_general3A_380, %reduce_min3A_381 [1] : vector<2048x256xf32> to vector<2048xf32>
    %broadcast_in_dim3A_383 = vector.shape_cast %reduce_min3A_382 : vector<2048xf32> to vector<2048x1xf32>
    %eq3A_384 = vector.broadcast %broadcast_in_dim3A_383 : vector<2048x1xf32> to vector<2048x256xf32>
    %eq3A_385 = arith.cmpf oeq, %dot_general3A_380, %eq3A_384 : vector<2048x256xf32>
    %jit3A_386 = arith.constant 8.192000e+03 : f32
    %broadcast_in_dim3A_387 = vector.broadcast %jit3A_386 : f32 to vector<2048x256xf32>
    %select_n3A_388 = arith.select %eq3A_385, %convert_element_type3A_7, %broadcast_in_dim3A_387 : vector<2048x256xi1>, vector<2048x256xf32>
    %reduce_min3A_389 = arith.constant dense<0x7F800000> : vector<2048xf32>
    %reduce_min3A_390 = vector.multi_reduction <minimumf>, %select_n3A_388, %reduce_min3A_389 [1] : vector<2048x256xf32> to vector<2048xf32>
    %broadcast_in_dim3A_391 = vector.shape_cast %reduce_min3A_390 : vector<2048xf32> to vector<2048x1xf32>
    %add3A_392 = arith.constant 4.352000e+03 : f32
    %add3A_393 = vector.broadcast %add3A_392 : f32 to vector<2048x1xf32>
    %add3A_394 = arith.addf %broadcast_in_dim3A_391, %add3A_393 : vector<2048x1xf32>
    %lt3A_395 = arith.cmpf olt, %broadcast_in_dim3A_383, %select_n3A_375 : vector<2048x1xf32>
    %select_n3A_396 = arith.select %lt3A_395, %add3A_394, %select_n3A_374 : vector<2048x1xi1>, vector<2048x1xf32>
    %select_n3A_397 = arith.select %lt3A_395, %broadcast_in_dim3A_383, %select_n3A_375 : vector<2048x1xi1>, vector<2048x1xf32>
    %get3A_398 = arith.constant 0 : index
    %get3A_399 = arith.constant 4608 : index
    %get3A_400 = vector.load %arg2[%get3A_398, %get3A_399] : memref<264x8192xbf16, #tpu.memory_space<vmem>>, vector<264x256xbf16>
    %dot_general3A_401 = arith.constant dense<0.000000e+00> : vector<2048x256xf32>
    %dot_general3A_402 = tpu.matmul %get3A_3, %get3A_400, %dot_general3A_401 {dimension_numbers = #tpu.dot_dimension_numbers<[1], [0], [0], [1], [0, 0, 1, 1], [], []>, transpose_lhs_hint = false} : vector<2048x264xbf16>, vector<264x256xbf16>, vector<2048x256xf32> -> vector<2048x256xf32>
    %reduce_min3A_403 = arith.constant dense<0x7F800000> : vector<2048xf32>
    %reduce_min3A_404 = vector.multi_reduction <minimumf>, %dot_general3A_402, %reduce_min3A_403 [1] : vector<2048x256xf32> to vector<2048xf32>
    %broadcast_in_dim3A_405 = vector.shape_cast %reduce_min3A_404 : vector<2048xf32> to vector<2048x1xf32>
    %eq3A_406 = vector.broadcast %broadcast_in_dim3A_405 : vector<2048x1xf32> to vector<2048x256xf32>
    %eq3A_407 = arith.cmpf oeq, %dot_general3A_402, %eq3A_406 : vector<2048x256xf32>
    %jit3A_408 = arith.constant 8.192000e+03 : f32
    %broadcast_in_dim3A_409 = vector.broadcast %jit3A_408 : f32 to vector<2048x256xf32>
    %select_n3A_410 = arith.select %eq3A_407, %convert_element_type3A_7, %broadcast_in_dim3A_409 : vector<2048x256xi1>, vector<2048x256xf32>
    %reduce_min3A_411 = arith.constant dense<0x7F800000> : vector<2048xf32>
    %reduce_min3A_412 = vector.multi_reduction <minimumf>, %select_n3A_410, %reduce_min3A_411 [1] : vector<2048x256xf32> to vector<2048xf32>
    %broadcast_in_dim3A_413 = vector.shape_cast %reduce_min3A_412 : vector<2048xf32> to vector<2048x1xf32>
    %add3A_414 = arith.constant 4.608000e+03 : f32
    %add3A_415 = vector.broadcast %add3A_414 : f32 to vector<2048x1xf32>
    %add3A_416 = arith.addf %broadcast_in_dim3A_413, %add3A_415 : vector<2048x1xf32>
    %lt3A_417 = arith.cmpf olt, %broadcast_in_dim3A_405, %select_n3A_397 : vector<2048x1xf32>
    %select_n3A_418 = arith.select %lt3A_417, %add3A_416, %select_n3A_396 : vector<2048x1xi1>, vector<2048x1xf32>
    %select_n3A_419 = arith.select %lt3A_417, %broadcast_in_dim3A_405, %select_n3A_397 : vector<2048x1xi1>, vector<2048x1xf32>
    %get3A_420 = arith.constant 0 : index
    %get3A_421 = arith.constant 4864 : index
    %get3A_422 = vector.load %arg2[%get3A_420, %get3A_421] : memref<264x8192xbf16, #tpu.memory_space<vmem>>, vector<264x256xbf16>
    %dot_general3A_423 = arith.constant dense<0.000000e+00> : vector<2048x256xf32>
    %dot_general3A_424 = tpu.matmul %get3A_3, %get3A_422, %dot_general3A_423 {dimension_numbers = #tpu.dot_dimension_numbers<[1], [0], [0], [1], [0, 0, 1, 1], [], []>, transpose_lhs_hint = false} : vector<2048x264xbf16>, vector<264x256xbf16>, vector<2048x256xf32> -> vector<2048x256xf32>
    %reduce_min3A_425 = arith.constant dense<0x7F800000> : vector<2048xf32>
    %reduce_min3A_426 = vector.multi_reduction <minimumf>, %dot_general3A_424, %reduce_min3A_425 [1] : vector<2048x256xf32> to vector<2048xf32>
    %broadcast_in_dim3A_427 = vector.shape_cast %reduce_min3A_426 : vector<2048xf32> to vector<2048x1xf32>
    %eq3A_428 = vector.broadcast %broadcast_in_dim3A_427 : vector<2048x1xf32> to vector<2048x256xf32>
    %eq3A_429 = arith.cmpf oeq, %dot_general3A_424, %eq3A_428 : vector<2048x256xf32>
    %jit3A_430 = arith.constant 8.192000e+03 : f32
    %broadcast_in_dim3A_431 = vector.broadcast %jit3A_430 : f32 to vector<2048x256xf32>
    %select_n3A_432 = arith.select %eq3A_429, %convert_element_type3A_7, %broadcast_in_dim3A_431 : vector<2048x256xi1>, vector<2048x256xf32>
    %reduce_min3A_433 = arith.constant dense<0x7F800000> : vector<2048xf32>
    %reduce_min3A_434 = vector.multi_reduction <minimumf>, %select_n3A_432, %reduce_min3A_433 [1] : vector<2048x256xf32> to vector<2048xf32>
    %broadcast_in_dim3A_435 = vector.shape_cast %reduce_min3A_434 : vector<2048xf32> to vector<2048x1xf32>
    %add3A_436 = arith.constant 4.864000e+03 : f32
    %add3A_437 = vector.broadcast %add3A_436 : f32 to vector<2048x1xf32>
    %add3A_438 = arith.addf %broadcast_in_dim3A_435, %add3A_437 : vector<2048x1xf32>
    %lt3A_439 = arith.cmpf olt, %broadcast_in_dim3A_427, %select_n3A_419 : vector<2048x1xf32>
    %select_n3A_440 = arith.select %lt3A_439, %add3A_438, %select_n3A_418 : vector<2048x1xi1>, vector<2048x1xf32>
    %select_n3A_441 = arith.select %lt3A_439, %broadcast_in_dim3A_427, %select_n3A_419 : vector<2048x1xi1>, vector<2048x1xf32>
    %get3A_442 = arith.constant 0 : index
    %get3A_443 = arith.constant 5120 : index
    %get3A_444 = vector.load %arg2[%get3A_442, %get3A_443] : memref<264x8192xbf16, #tpu.memory_space<vmem>>, vector<264x256xbf16>
    %dot_general3A_445 = arith.constant dense<0.000000e+00> : vector<2048x256xf32>
    %dot_general3A_446 = tpu.matmul %get3A_3, %get3A_444, %dot_general3A_445 {dimension_numbers = #tpu.dot_dimension_numbers<[1], [0], [0], [1], [0, 0, 1, 1], [], []>, transpose_lhs_hint = false} : vector<2048x264xbf16>, vector<264x256xbf16>, vector<2048x256xf32> -> vector<2048x256xf32>
    %reduce_min3A_447 = arith.constant dense<0x7F800000> : vector<2048xf32>
    %reduce_min3A_448 = vector.multi_reduction <minimumf>, %dot_general3A_446, %reduce_min3A_447 [1] : vector<2048x256xf32> to vector<2048xf32>
    %broadcast_in_dim3A_449 = vector.shape_cast %reduce_min3A_448 : vector<2048xf32> to vector<2048x1xf32>
    %eq3A_450 = vector.broadcast %broadcast_in_dim3A_449 : vector<2048x1xf32> to vector<2048x256xf32>
    %eq3A_451 = arith.cmpf oeq, %dot_general3A_446, %eq3A_450 : vector<2048x256xf32>
    %jit3A_452 = arith.constant 8.192000e+03 : f32
    %broadcast_in_dim3A_453 = vector.broadcast %jit3A_452 : f32 to vector<2048x256xf32>
    %select_n3A_454 = arith.select %eq3A_451, %convert_element_type3A_7, %broadcast_in_dim3A_453 : vector<2048x256xi1>, vector<2048x256xf32>
    %reduce_min3A_455 = arith.constant dense<0x7F800000> : vector<2048xf32>
    %reduce_min3A_456 = vector.multi_reduction <minimumf>, %select_n3A_454, %reduce_min3A_455 [1] : vector<2048x256xf32> to vector<2048xf32>
    %broadcast_in_dim3A_457 = vector.shape_cast %reduce_min3A_456 : vector<2048xf32> to vector<2048x1xf32>
    %add3A_458 = arith.constant 5.120000e+03 : f32
    %add3A_459 = vector.broadcast %add3A_458 : f32 to vector<2048x1xf32>
    %add3A_460 = arith.addf %broadcast_in_dim3A_457, %add3A_459 : vector<2048x1xf32>
    %lt3A_461 = arith.cmpf olt, %broadcast_in_dim3A_449, %select_n3A_441 : vector<2048x1xf32>
    %select_n3A_462 = arith.select %lt3A_461, %add3A_460, %select_n3A_440 : vector<2048x1xi1>, vector<2048x1xf32>
    %select_n3A_463 = arith.select %lt3A_461, %broadcast_in_dim3A_449, %select_n3A_441 : vector<2048x1xi1>, vector<2048x1xf32>
    %get3A_464 = arith.constant 0 : index
    %get3A_465 = arith.constant 5376 : index
    %get3A_466 = vector.load %arg2[%get3A_464, %get3A_465] : memref<264x8192xbf16, #tpu.memory_space<vmem>>, vector<264x256xbf16>
    %dot_general3A_467 = arith.constant dense<0.000000e+00> : vector<2048x256xf32>
    %dot_general3A_468 = tpu.matmul %get3A_3, %get3A_466, %dot_general3A_467 {dimension_numbers = #tpu.dot_dimension_numbers<[1], [0], [0], [1], [0, 0, 1, 1], [], []>, transpose_lhs_hint = false} : vector<2048x264xbf16>, vector<264x256xbf16>, vector<2048x256xf32> -> vector<2048x256xf32>
    %reduce_min3A_469 = arith.constant dense<0x7F800000> : vector<2048xf32>
    %reduce_min3A_470 = vector.multi_reduction <minimumf>, %dot_general3A_468, %reduce_min3A_469 [1] : vector<2048x256xf32> to vector<2048xf32>
    %broadcast_in_dim3A_471 = vector.shape_cast %reduce_min3A_470 : vector<2048xf32> to vector<2048x1xf32>
    %eq3A_472 = vector.broadcast %broadcast_in_dim3A_471 : vector<2048x1xf32> to vector<2048x256xf32>
    %eq3A_473 = arith.cmpf oeq, %dot_general3A_468, %eq3A_472 : vector<2048x256xf32>
    %jit3A_474 = arith.constant 8.192000e+03 : f32
    %broadcast_in_dim3A_475 = vector.broadcast %jit3A_474 : f32 to vector<2048x256xf32>
    %select_n3A_476 = arith.select %eq3A_473, %convert_element_type3A_7, %broadcast_in_dim3A_475 : vector<2048x256xi1>, vector<2048x256xf32>
    %reduce_min3A_477 = arith.constant dense<0x7F800000> : vector<2048xf32>
    %reduce_min3A_478 = vector.multi_reduction <minimumf>, %select_n3A_476, %reduce_min3A_477 [1] : vector<2048x256xf32> to vector<2048xf32>
    %broadcast_in_dim3A_479 = vector.shape_cast %reduce_min3A_478 : vector<2048xf32> to vector<2048x1xf32>
    %add3A_480 = arith.constant 5.376000e+03 : f32
    %add3A_481 = vector.broadcast %add3A_480 : f32 to vector<2048x1xf32>
    %add3A_482 = arith.addf %broadcast_in_dim3A_479, %add3A_481 : vector<2048x1xf32>
    %lt3A_483 = arith.cmpf olt, %broadcast_in_dim3A_471, %select_n3A_463 : vector<2048x1xf32>
    %select_n3A_484 = arith.select %lt3A_483, %add3A_482, %select_n3A_462 : vector<2048x1xi1>, vector<2048x1xf32>
    %select_n3A_485 = arith.select %lt3A_483, %broadcast_in_dim3A_471, %select_n3A_463 : vector<2048x1xi1>, vector<2048x1xf32>
    %get3A_486 = arith.constant 0 : index
    %get3A_487 = arith.constant 5632 : index
    %get3A_488 = vector.load %arg2[%get3A_486, %get3A_487] : memref<264x8192xbf16, #tpu.memory_space<vmem>>, vector<264x256xbf16>
    %dot_general3A_489 = arith.constant dense<0.000000e+00> : vector<2048x256xf32>
    %dot_general3A_490 = tpu.matmul %get3A_3, %get3A_488, %dot_general3A_489 {dimension_numbers = #tpu.dot_dimension_numbers<[1], [0], [0], [1], [0, 0, 1, 1], [], []>, transpose_lhs_hint = false} : vector<2048x264xbf16>, vector<264x256xbf16>, vector<2048x256xf32> -> vector<2048x256xf32>
    %reduce_min3A_491 = arith.constant dense<0x7F800000> : vector<2048xf32>
    %reduce_min3A_492 = vector.multi_reduction <minimumf>, %dot_general3A_490, %reduce_min3A_491 [1] : vector<2048x256xf32> to vector<2048xf32>
    %broadcast_in_dim3A_493 = vector.shape_cast %reduce_min3A_492 : vector<2048xf32> to vector<2048x1xf32>
    %eq3A_494 = vector.broadcast %broadcast_in_dim3A_493 : vector<2048x1xf32> to vector<2048x256xf32>
    %eq3A_495 = arith.cmpf oeq, %dot_general3A_490, %eq3A_494 : vector<2048x256xf32>
    %jit3A_496 = arith.constant 8.192000e+03 : f32
    %broadcast_in_dim3A_497 = vector.broadcast %jit3A_496 : f32 to vector<2048x256xf32>
    %select_n3A_498 = arith.select %eq3A_495, %convert_element_type3A_7, %broadcast_in_dim3A_497 : vector<2048x256xi1>, vector<2048x256xf32>
    %reduce_min3A_499 = arith.constant dense<0x7F800000> : vector<2048xf32>
    %reduce_min3A_500 = vector.multi_reduction <minimumf>, %select_n3A_498, %reduce_min3A_499 [1] : vector<2048x256xf32> to vector<2048xf32>
    %broadcast_in_dim3A_501 = vector.shape_cast %reduce_min3A_500 : vector<2048xf32> to vector<2048x1xf32>
    %add3A_502 = arith.constant 5.632000e+03 : f32
    %add3A_503 = vector.broadcast %add3A_502 : f32 to vector<2048x1xf32>
    %add3A_504 = arith.addf %broadcast_in_dim3A_501, %add3A_503 : vector<2048x1xf32>
    %lt3A_505 = arith.cmpf olt, %broadcast_in_dim3A_493, %select_n3A_485 : vector<2048x1xf32>
    %select_n3A_506 = arith.select %lt3A_505, %add3A_504, %select_n3A_484 : vector<2048x1xi1>, vector<2048x1xf32>
    %select_n3A_507 = arith.select %lt3A_505, %broadcast_in_dim3A_493, %select_n3A_485 : vector<2048x1xi1>, vector<2048x1xf32>
    %get3A_508 = arith.constant 0 : index
    %get3A_509 = arith.constant 5888 : index
    %get3A_510 = vector.load %arg2[%get3A_508, %get3A_509] : memref<264x8192xbf16, #tpu.memory_space<vmem>>, vector<264x256xbf16>
    %dot_general3A_511 = arith.constant dense<0.000000e+00> : vector<2048x256xf32>
    %dot_general3A_512 = tpu.matmul %get3A_3, %get3A_510, %dot_general3A_511 {dimension_numbers = #tpu.dot_dimension_numbers<[1], [0], [0], [1], [0, 0, 1, 1], [], []>, transpose_lhs_hint = false} : vector<2048x264xbf16>, vector<264x256xbf16>, vector<2048x256xf32> -> vector<2048x256xf32>
    %reduce_min3A_513 = arith.constant dense<0x7F800000> : vector<2048xf32>
    %reduce_min3A_514 = vector.multi_reduction <minimumf>, %dot_general3A_512, %reduce_min3A_513 [1] : vector<2048x256xf32> to vector<2048xf32>
    %broadcast_in_dim3A_515 = vector.shape_cast %reduce_min3A_514 : vector<2048xf32> to vector<2048x1xf32>
    %eq3A_516 = vector.broadcast %broadcast_in_dim3A_515 : vector<2048x1xf32> to vector<2048x256xf32>
    %eq3A_517 = arith.cmpf oeq, %dot_general3A_512, %eq3A_516 : vector<2048x256xf32>
    %jit3A_518 = arith.constant 8.192000e+03 : f32
    %broadcast_in_dim3A_519 = vector.broadcast %jit3A_518 : f32 to vector<2048x256xf32>
    %select_n3A_520 = arith.select %eq3A_517, %convert_element_type3A_7, %broadcast_in_dim3A_519 : vector<2048x256xi1>, vector<2048x256xf32>
    %reduce_min3A_521 = arith.constant dense<0x7F800000> : vector<2048xf32>
    %reduce_min3A_522 = vector.multi_reduction <minimumf>, %select_n3A_520, %reduce_min3A_521 [1] : vector<2048x256xf32> to vector<2048xf32>
    %broadcast_in_dim3A_523 = vector.shape_cast %reduce_min3A_522 : vector<2048xf32> to vector<2048x1xf32>
    %add3A_524 = arith.constant 5.888000e+03 : f32
    %add3A_525 = vector.broadcast %add3A_524 : f32 to vector<2048x1xf32>
    %add3A_526 = arith.addf %broadcast_in_dim3A_523, %add3A_525 : vector<2048x1xf32>
    %lt3A_527 = arith.cmpf olt, %broadcast_in_dim3A_515, %select_n3A_507 : vector<2048x1xf32>
    %select_n3A_528 = arith.select %lt3A_527, %add3A_526, %select_n3A_506 : vector<2048x1xi1>, vector<2048x1xf32>
    %select_n3A_529 = arith.select %lt3A_527, %broadcast_in_dim3A_515, %select_n3A_507 : vector<2048x1xi1>, vector<2048x1xf32>
    %get3A_530 = arith.constant 0 : index
    %get3A_531 = arith.constant 6144 : index
    %get3A_532 = vector.load %arg2[%get3A_530, %get3A_531] : memref<264x8192xbf16, #tpu.memory_space<vmem>>, vector<264x256xbf16>
    %dot_general3A_533 = arith.constant dense<0.000000e+00> : vector<2048x256xf32>
    %dot_general3A_534 = tpu.matmul %get3A_3, %get3A_532, %dot_general3A_533 {dimension_numbers = #tpu.dot_dimension_numbers<[1], [0], [0], [1], [0, 0, 1, 1], [], []>, transpose_lhs_hint = false} : vector<2048x264xbf16>, vector<264x256xbf16>, vector<2048x256xf32> -> vector<2048x256xf32>
    %reduce_min3A_535 = arith.constant dense<0x7F800000> : vector<2048xf32>
    %reduce_min3A_536 = vector.multi_reduction <minimumf>, %dot_general3A_534, %reduce_min3A_535 [1] : vector<2048x256xf32> to vector<2048xf32>
    %broadcast_in_dim3A_537 = vector.shape_cast %reduce_min3A_536 : vector<2048xf32> to vector<2048x1xf32>
    %eq3A_538 = vector.broadcast %broadcast_in_dim3A_537 : vector<2048x1xf32> to vector<2048x256xf32>
    %eq3A_539 = arith.cmpf oeq, %dot_general3A_534, %eq3A_538 : vector<2048x256xf32>
    %jit3A_540 = arith.constant 8.192000e+03 : f32
    %broadcast_in_dim3A_541 = vector.broadcast %jit3A_540 : f32 to vector<2048x256xf32>
    %select_n3A_542 = arith.select %eq3A_539, %convert_element_type3A_7, %broadcast_in_dim3A_541 : vector<2048x256xi1>, vector<2048x256xf32>
    %reduce_min3A_543 = arith.constant dense<0x7F800000> : vector<2048xf32>
    %reduce_min3A_544 = vector.multi_reduction <minimumf>, %select_n3A_542, %reduce_min3A_543 [1] : vector<2048x256xf32> to vector<2048xf32>
    %broadcast_in_dim3A_545 = vector.shape_cast %reduce_min3A_544 : vector<2048xf32> to vector<2048x1xf32>
    %add3A_546 = arith.constant 6.144000e+03 : f32
    %add3A_547 = vector.broadcast %add3A_546 : f32 to vector<2048x1xf32>
    %add3A_548 = arith.addf %broadcast_in_dim3A_545, %add3A_547 : vector<2048x1xf32>
    %lt3A_549 = arith.cmpf olt, %broadcast_in_dim3A_537, %select_n3A_529 : vector<2048x1xf32>
    %select_n3A_550 = arith.select %lt3A_549, %add3A_548, %select_n3A_528 : vector<2048x1xi1>, vector<2048x1xf32>
    %select_n3A_551 = arith.select %lt3A_549, %broadcast_in_dim3A_537, %select_n3A_529 : vector<2048x1xi1>, vector<2048x1xf32>
    %get3A_552 = arith.constant 0 : index
    %get3A_553 = arith.constant 6400 : index
    %get3A_554 = vector.load %arg2[%get3A_552, %get3A_553] : memref<264x8192xbf16, #tpu.memory_space<vmem>>, vector<264x256xbf16>
    %dot_general3A_555 = arith.constant dense<0.000000e+00> : vector<2048x256xf32>
    %dot_general3A_556 = tpu.matmul %get3A_3, %get3A_554, %dot_general3A_555 {dimension_numbers = #tpu.dot_dimension_numbers<[1], [0], [0], [1], [0, 0, 1, 1], [], []>, transpose_lhs_hint = false} : vector<2048x264xbf16>, vector<264x256xbf16>, vector<2048x256xf32> -> vector<2048x256xf32>
    %reduce_min3A_557 = arith.constant dense<0x7F800000> : vector<2048xf32>
    %reduce_min3A_558 = vector.multi_reduction <minimumf>, %dot_general3A_556, %reduce_min3A_557 [1] : vector<2048x256xf32> to vector<2048xf32>
    %broadcast_in_dim3A_559 = vector.shape_cast %reduce_min3A_558 : vector<2048xf32> to vector<2048x1xf32>
    %eq3A_560 = vector.broadcast %broadcast_in_dim3A_559 : vector<2048x1xf32> to vector<2048x256xf32>
    %eq3A_561 = arith.cmpf oeq, %dot_general3A_556, %eq3A_560 : vector<2048x256xf32>
    %jit3A_562 = arith.constant 8.192000e+03 : f32
    %broadcast_in_dim3A_563 = vector.broadcast %jit3A_562 : f32 to vector<2048x256xf32>
    %select_n3A_564 = arith.select %eq3A_561, %convert_element_type3A_7, %broadcast_in_dim3A_563 : vector<2048x256xi1>, vector<2048x256xf32>
    %reduce_min3A_565 = arith.constant dense<0x7F800000> : vector<2048xf32>
    %reduce_min3A_566 = vector.multi_reduction <minimumf>, %select_n3A_564, %reduce_min3A_565 [1] : vector<2048x256xf32> to vector<2048xf32>
    %broadcast_in_dim3A_567 = vector.shape_cast %reduce_min3A_566 : vector<2048xf32> to vector<2048x1xf32>
    %add3A_568 = arith.constant 6.400000e+03 : f32
    %add3A_569 = vector.broadcast %add3A_568 : f32 to vector<2048x1xf32>
    %add3A_570 = arith.addf %broadcast_in_dim3A_567, %add3A_569 : vector<2048x1xf32>
    %lt3A_571 = arith.cmpf olt, %broadcast_in_dim3A_559, %select_n3A_551 : vector<2048x1xf32>
    %select_n3A_572 = arith.select %lt3A_571, %add3A_570, %select_n3A_550 : vector<2048x1xi1>, vector<2048x1xf32>
    %select_n3A_573 = arith.select %lt3A_571, %broadcast_in_dim3A_559, %select_n3A_551 : vector<2048x1xi1>, vector<2048x1xf32>
    %get3A_574 = arith.constant 0 : index
    %get3A_575 = arith.constant 6656 : index
    %get3A_576 = vector.load %arg2[%get3A_574, %get3A_575] : memref<264x8192xbf16, #tpu.memory_space<vmem>>, vector<264x256xbf16>
    %dot_general3A_577 = arith.constant dense<0.000000e+00> : vector<2048x256xf32>
    %dot_general3A_578 = tpu.matmul %get3A_3, %get3A_576, %dot_general3A_577 {dimension_numbers = #tpu.dot_dimension_numbers<[1], [0], [0], [1], [0, 0, 1, 1], [], []>, transpose_lhs_hint = false} : vector<2048x264xbf16>, vector<264x256xbf16>, vector<2048x256xf32> -> vector<2048x256xf32>
    %reduce_min3A_579 = arith.constant dense<0x7F800000> : vector<2048xf32>
    %reduce_min3A_580 = vector.multi_reduction <minimumf>, %dot_general3A_578, %reduce_min3A_579 [1] : vector<2048x256xf32> to vector<2048xf32>
    %broadcast_in_dim3A_581 = vector.shape_cast %reduce_min3A_580 : vector<2048xf32> to vector<2048x1xf32>
    %eq3A_582 = vector.broadcast %broadcast_in_dim3A_581 : vector<2048x1xf32> to vector<2048x256xf32>
    %eq3A_583 = arith.cmpf oeq, %dot_general3A_578, %eq3A_582 : vector<2048x256xf32>
    %jit3A_584 = arith.constant 8.192000e+03 : f32
    %broadcast_in_dim3A_585 = vector.broadcast %jit3A_584 : f32 to vector<2048x256xf32>
    %select_n3A_586 = arith.select %eq3A_583, %convert_element_type3A_7, %broadcast_in_dim3A_585 : vector<2048x256xi1>, vector<2048x256xf32>
    %reduce_min3A_587 = arith.constant dense<0x7F800000> : vector<2048xf32>
    %reduce_min3A_588 = vector.multi_reduction <minimumf>, %select_n3A_586, %reduce_min3A_587 [1] : vector<2048x256xf32> to vector<2048xf32>
    %broadcast_in_dim3A_589 = vector.shape_cast %reduce_min3A_588 : vector<2048xf32> to vector<2048x1xf32>
    %add3A_590 = arith.constant 6.656000e+03 : f32
    %add3A_591 = vector.broadcast %add3A_590 : f32 to vector<2048x1xf32>
    %add3A_592 = arith.addf %broadcast_in_dim3A_589, %add3A_591 : vector<2048x1xf32>
    %lt3A_593 = arith.cmpf olt, %broadcast_in_dim3A_581, %select_n3A_573 : vector<2048x1xf32>
    %select_n3A_594 = arith.select %lt3A_593, %add3A_592, %select_n3A_572 : vector<2048x1xi1>, vector<2048x1xf32>
    %select_n3A_595 = arith.select %lt3A_593, %broadcast_in_dim3A_581, %select_n3A_573 : vector<2048x1xi1>, vector<2048x1xf32>
    %get3A_596 = arith.constant 0 : index
    %get3A_597 = arith.constant 6912 : index
    %get3A_598 = vector.load %arg2[%get3A_596, %get3A_597] : memref<264x8192xbf16, #tpu.memory_space<vmem>>, vector<264x256xbf16>
    %dot_general3A_599 = arith.constant dense<0.000000e+00> : vector<2048x256xf32>
    %dot_general3A_600 = tpu.matmul %get3A_3, %get3A_598, %dot_general3A_599 {dimension_numbers = #tpu.dot_dimension_numbers<[1], [0], [0], [1], [0, 0, 1, 1], [], []>, transpose_lhs_hint = false} : vector<2048x264xbf16>, vector<264x256xbf16>, vector<2048x256xf32> -> vector<2048x256xf32>
    %reduce_min3A_601 = arith.constant dense<0x7F800000> : vector<2048xf32>
    %reduce_min3A_602 = vector.multi_reduction <minimumf>, %dot_general3A_600, %reduce_min3A_601 [1] : vector<2048x256xf32> to vector<2048xf32>
    %broadcast_in_dim3A_603 = vector.shape_cast %reduce_min3A_602 : vector<2048xf32> to vector<2048x1xf32>
    %eq3A_604 = vector.broadcast %broadcast_in_dim3A_603 : vector<2048x1xf32> to vector<2048x256xf32>
    %eq3A_605 = arith.cmpf oeq, %dot_general3A_600, %eq3A_604 : vector<2048x256xf32>
    %jit3A_606 = arith.constant 8.192000e+03 : f32
    %broadcast_in_dim3A_607 = vector.broadcast %jit3A_606 : f32 to vector<2048x256xf32>
    %select_n3A_608 = arith.select %eq3A_605, %convert_element_type3A_7, %broadcast_in_dim3A_607 : vector<2048x256xi1>, vector<2048x256xf32>
    %reduce_min3A_609 = arith.constant dense<0x7F800000> : vector<2048xf32>
    %reduce_min3A_610 = vector.multi_reduction <minimumf>, %select_n3A_608, %reduce_min3A_609 [1] : vector<2048x256xf32> to vector<2048xf32>
    %broadcast_in_dim3A_611 = vector.shape_cast %reduce_min3A_610 : vector<2048xf32> to vector<2048x1xf32>
    %add3A_612 = arith.constant 6.912000e+03 : f32
    %add3A_613 = vector.broadcast %add3A_612 : f32 to vector<2048x1xf32>
    %add3A_614 = arith.addf %broadcast_in_dim3A_611, %add3A_613 : vector<2048x1xf32>
    %lt3A_615 = arith.cmpf olt, %broadcast_in_dim3A_603, %select_n3A_595 : vector<2048x1xf32>
    %select_n3A_616 = arith.select %lt3A_615, %add3A_614, %select_n3A_594 : vector<2048x1xi1>, vector<2048x1xf32>
    %select_n3A_617 = arith.select %lt3A_615, %broadcast_in_dim3A_603, %select_n3A_595 : vector<2048x1xi1>, vector<2048x1xf32>
    %get3A_618 = arith.constant 0 : index
    %get3A_619 = arith.constant 7168 : index
    %get3A_620 = vector.load %arg2[%get3A_618, %get3A_619] : memref<264x8192xbf16, #tpu.memory_space<vmem>>, vector<264x256xbf16>
    %dot_general3A_621 = arith.constant dense<0.000000e+00> : vector<2048x256xf32>
    %dot_general3A_622 = tpu.matmul %get3A_3, %get3A_620, %dot_general3A_621 {dimension_numbers = #tpu.dot_dimension_numbers<[1], [0], [0], [1], [0, 0, 1, 1], [], []>, transpose_lhs_hint = false} : vector<2048x264xbf16>, vector<264x256xbf16>, vector<2048x256xf32> -> vector<2048x256xf32>
    %reduce_min3A_623 = arith.constant dense<0x7F800000> : vector<2048xf32>
    %reduce_min3A_624 = vector.multi_reduction <minimumf>, %dot_general3A_622, %reduce_min3A_623 [1] : vector<2048x256xf32> to vector<2048xf32>
    %broadcast_in_dim3A_625 = vector.shape_cast %reduce_min3A_624 : vector<2048xf32> to vector<2048x1xf32>
    %eq3A_626 = vector.broadcast %broadcast_in_dim3A_625 : vector<2048x1xf32> to vector<2048x256xf32>
    %eq3A_627 = arith.cmpf oeq, %dot_general3A_622, %eq3A_626 : vector<2048x256xf32>
    %jit3A_628 = arith.constant 8.192000e+03 : f32
    %broadcast_in_dim3A_629 = vector.broadcast %jit3A_628 : f32 to vector<2048x256xf32>
    %select_n3A_630 = arith.select %eq3A_627, %convert_element_type3A_7, %broadcast_in_dim3A_629 : vector<2048x256xi1>, vector<2048x256xf32>
    %reduce_min3A_631 = arith.constant dense<0x7F800000> : vector<2048xf32>
    %reduce_min3A_632 = vector.multi_reduction <minimumf>, %select_n3A_630, %reduce_min3A_631 [1] : vector<2048x256xf32> to vector<2048xf32>
    %broadcast_in_dim3A_633 = vector.shape_cast %reduce_min3A_632 : vector<2048xf32> to vector<2048x1xf32>
    %add3A_634 = arith.constant 7.168000e+03 : f32
    %add3A_635 = vector.broadcast %add3A_634 : f32 to vector<2048x1xf32>
    %add3A_636 = arith.addf %broadcast_in_dim3A_633, %add3A_635 : vector<2048x1xf32>
    %lt3A_637 = arith.cmpf olt, %broadcast_in_dim3A_625, %select_n3A_617 : vector<2048x1xf32>
    %select_n3A_638 = arith.select %lt3A_637, %add3A_636, %select_n3A_616 : vector<2048x1xi1>, vector<2048x1xf32>
    %select_n3A_639 = arith.select %lt3A_637, %broadcast_in_dim3A_625, %select_n3A_617 : vector<2048x1xi1>, vector<2048x1xf32>
    %get3A_640 = arith.constant 0 : index
    %get3A_641 = arith.constant 7424 : index
    %get3A_642 = vector.load %arg2[%get3A_640, %get3A_641] : memref<264x8192xbf16, #tpu.memory_space<vmem>>, vector<264x256xbf16>
    %dot_general3A_643 = arith.constant dense<0.000000e+00> : vector<2048x256xf32>
    %dot_general3A_644 = tpu.matmul %get3A_3, %get3A_642, %dot_general3A_643 {dimension_numbers = #tpu.dot_dimension_numbers<[1], [0], [0], [1], [0, 0, 1, 1], [], []>, transpose_lhs_hint = false} : vector<2048x264xbf16>, vector<264x256xbf16>, vector<2048x256xf32> -> vector<2048x256xf32>
    %reduce_min3A_645 = arith.constant dense<0x7F800000> : vector<2048xf32>
    %reduce_min3A_646 = vector.multi_reduction <minimumf>, %dot_general3A_644, %reduce_min3A_645 [1] : vector<2048x256xf32> to vector<2048xf32>
    %broadcast_in_dim3A_647 = vector.shape_cast %reduce_min3A_646 : vector<2048xf32> to vector<2048x1xf32>
    %eq3A_648 = vector.broadcast %broadcast_in_dim3A_647 : vector<2048x1xf32> to vector<2048x256xf32>
    %eq3A_649 = arith.cmpf oeq, %dot_general3A_644, %eq3A_648 : vector<2048x256xf32>
    %jit3A_650 = arith.constant 8.192000e+03 : f32
    %broadcast_in_dim3A_651 = vector.broadcast %jit3A_650 : f32 to vector<2048x256xf32>
    %select_n3A_652 = arith.select %eq3A_649, %convert_element_type3A_7, %broadcast_in_dim3A_651 : vector<2048x256xi1>, vector<2048x256xf32>
    %reduce_min3A_653 = arith.constant dense<0x7F800000> : vector<2048xf32>
    %reduce_min3A_654 = vector.multi_reduction <minimumf>, %select_n3A_652, %reduce_min3A_653 [1] : vector<2048x256xf32> to vector<2048xf32>
    %broadcast_in_dim3A_655 = vector.shape_cast %reduce_min3A_654 : vector<2048xf32> to vector<2048x1xf32>
    %add3A_656 = arith.constant 7.424000e+03 : f32
    %add3A_657 = vector.broadcast %add3A_656 : f32 to vector<2048x1xf32>
    %add3A_658 = arith.addf %broadcast_in_dim3A_655, %add3A_657 : vector<2048x1xf32>
    %lt3A_659 = arith.cmpf olt, %broadcast_in_dim3A_647, %select_n3A_639 : vector<2048x1xf32>
    %select_n3A_660 = arith.select %lt3A_659, %add3A_658, %select_n3A_638 : vector<2048x1xi1>, vector<2048x1xf32>
    %select_n3A_661 = arith.select %lt3A_659, %broadcast_in_dim3A_647, %select_n3A_639 : vector<2048x1xi1>, vector<2048x1xf32>
    %get3A_662 = arith.constant 0 : index
    %get3A_663 = arith.constant 7680 : index
    %get3A_664 = vector.load %arg2[%get3A_662, %get3A_663] : memref<264x8192xbf16, #tpu.memory_space<vmem>>, vector<264x256xbf16>
    %dot_general3A_665 = arith.constant dense<0.000000e+00> : vector<2048x256xf32>
    %dot_general3A_666 = tpu.matmul %get3A_3, %get3A_664, %dot_general3A_665 {dimension_numbers = #tpu.dot_dimension_numbers<[1], [0], [0], [1], [0, 0, 1, 1], [], []>, transpose_lhs_hint = false} : vector<2048x264xbf16>, vector<264x256xbf16>, vector<2048x256xf32> -> vector<2048x256xf32>
    %reduce_min3A_667 = arith.constant dense<0x7F800000> : vector<2048xf32>
    %reduce_min3A_668 = vector.multi_reduction <minimumf>, %dot_general3A_666, %reduce_min3A_667 [1] : vector<2048x256xf32> to vector<2048xf32>
    %broadcast_in_dim3A_669 = vector.shape_cast %reduce_min3A_668 : vector<2048xf32> to vector<2048x1xf32>
    %eq3A_670 = vector.broadcast %broadcast_in_dim3A_669 : vector<2048x1xf32> to vector<2048x256xf32>
    %eq3A_671 = arith.cmpf oeq, %dot_general3A_666, %eq3A_670 : vector<2048x256xf32>
    %jit3A_672 = arith.constant 8.192000e+03 : f32
    %broadcast_in_dim3A_673 = vector.broadcast %jit3A_672 : f32 to vector<2048x256xf32>
    %select_n3A_674 = arith.select %eq3A_671, %convert_element_type3A_7, %broadcast_in_dim3A_673 : vector<2048x256xi1>, vector<2048x256xf32>
    %reduce_min3A_675 = arith.constant dense<0x7F800000> : vector<2048xf32>
    %reduce_min3A_676 = vector.multi_reduction <minimumf>, %select_n3A_674, %reduce_min3A_675 [1] : vector<2048x256xf32> to vector<2048xf32>
    %broadcast_in_dim3A_677 = vector.shape_cast %reduce_min3A_676 : vector<2048xf32> to vector<2048x1xf32>
    %add3A_678 = arith.constant 7.680000e+03 : f32
    %add3A_679 = vector.broadcast %add3A_678 : f32 to vector<2048x1xf32>
    %add3A_680 = arith.addf %broadcast_in_dim3A_677, %add3A_679 : vector<2048x1xf32>
    %lt3A_681 = arith.cmpf olt, %broadcast_in_dim3A_669, %select_n3A_661 : vector<2048x1xf32>
    %select_n3A_682 = arith.select %lt3A_681, %add3A_680, %select_n3A_660 : vector<2048x1xi1>, vector<2048x1xf32>
    %select_n3A_683 = arith.select %lt3A_681, %broadcast_in_dim3A_669, %select_n3A_661 : vector<2048x1xi1>, vector<2048x1xf32>
    %get3A_684 = arith.constant 0 : index
    %get3A_685 = arith.constant 7936 : index
    %get3A_686 = vector.load %arg2[%get3A_684, %get3A_685] : memref<264x8192xbf16, #tpu.memory_space<vmem>>, vector<264x256xbf16>
    %dot_general3A_687 = arith.constant dense<0.000000e+00> : vector<2048x256xf32>
    %dot_general3A_688 = tpu.matmul %get3A_3, %get3A_686, %dot_general3A_687 {dimension_numbers = #tpu.dot_dimension_numbers<[1], [0], [0], [1], [0, 0, 1, 1], [], []>, transpose_lhs_hint = false} : vector<2048x264xbf16>, vector<264x256xbf16>, vector<2048x256xf32> -> vector<2048x256xf32>
    %reduce_min3A_689 = arith.constant dense<0x7F800000> : vector<2048xf32>
    %reduce_min3A_690 = vector.multi_reduction <minimumf>, %dot_general3A_688, %reduce_min3A_689 [1] : vector<2048x256xf32> to vector<2048xf32>
    %broadcast_in_dim3A_691 = vector.shape_cast %reduce_min3A_690 : vector<2048xf32> to vector<2048x1xf32>
    %eq3A_692 = vector.broadcast %broadcast_in_dim3A_691 : vector<2048x1xf32> to vector<2048x256xf32>
    %eq3A_693 = arith.cmpf oeq, %dot_general3A_688, %eq3A_692 : vector<2048x256xf32>
    %jit3A_694 = arith.constant 8.192000e+03 : f32
    %broadcast_in_dim3A_695 = vector.broadcast %jit3A_694 : f32 to vector<2048x256xf32>
    %select_n3A_696 = arith.select %eq3A_693, %convert_element_type3A_7, %broadcast_in_dim3A_695 : vector<2048x256xi1>, vector<2048x256xf32>
    %reduce_min3A_697 = arith.constant dense<0x7F800000> : vector<2048xf32>
    %reduce_min3A_698 = vector.multi_reduction <minimumf>, %select_n3A_696, %reduce_min3A_697 [1] : vector<2048x256xf32> to vector<2048xf32>
    %broadcast_in_dim3A_699 = vector.shape_cast %reduce_min3A_698 : vector<2048xf32> to vector<2048x1xf32>
    %add3A_700 = arith.constant 7.936000e+03 : f32
    %add3A_701 = vector.broadcast %add3A_700 : f32 to vector<2048x1xf32>
    %add3A_702 = arith.addf %broadcast_in_dim3A_699, %add3A_701 : vector<2048x1xf32>
    %lt3A_703 = arith.cmpf olt, %broadcast_in_dim3A_691, %select_n3A_683 : vector<2048x1xf32>
    %select_n3A_704 = arith.select %lt3A_703, %add3A_702, %select_n3A_682 : vector<2048x1xi1>, vector<2048x1xf32>
    %select_n3A_705 = arith.select %lt3A_703, %broadcast_in_dim3A_691, %select_n3A_683 : vector<2048x1xi1>, vector<2048x1xf32>
    %convert_element_type3A_706 = arith.fptosi %select_n3A_704 : vector<2048x1xf32> to vector<2048x1xi32>
    %transpose3A = tpu.transpose %convert_element_type3A_706, [1, 0] : vector<2048x1xi32> -> vector<1x2048xi32>
    %broadcast_in_dim3A_707 = vector.shape_cast %transpose3A : vector<1x2048xi32> to vector<1x1x2048xi32>
    %swap3A = arith.constant 0 : index
    %swap3A_708 = arith.constant 0 : index
    %swap3A_709 = arith.constant 0 : index
    %swap3A_710 = vector.load %arg3[%swap3A, %swap3A_708, %swap3A_709] : memref<1x1x2048xi32, #tpu.memory_space<vmem>>, vector<1x1x2048xi32>
    tpu.vector_store %arg3[%swap3A, %swap3A_708, %swap3A_709], %broadcast_in_dim3A_707 {strides = array<i32>} : memref<1x1x2048xi32, #tpu.memory_space<vmem>>, vector<1x1x2048xi32>,
    %get3A_711 = arith.constant 0 : index
    %get3A_712 = arith.constant 0 : index
    %get3A_713 = vector.load %arg4[%get3A_711, %get3A_712] : memref<1x1xf32, #tpu.memory_space<vmem>>, vector<1x1xf32>
    %reduce_sum3A = vector.shape_cast %select_n3A_705 : vector<2048x1xf32> to vector<1x2048x1xf32>
    %reduce_sum3A_714 = arith.constant dense<0.000000e+00> : vector<1xf32>
    %reduce_sum3A_715 = vector.multi_reduction <add>, %reduce_sum3A, %reduce_sum3A_714 [1, 2] : vector<1x2048x1xf32> to vector<1xf32>
    %reduce_sum3A_716 = vector.shape_cast %reduce_sum3A_715 : vector<1xf32> to vector<1x1x1xf32>
    %reduce_sum3A_717 = vector.extract %reduce_sum3A_716[0, 0, 0] : f32 from vector<1x1x1xf32>
    %reshape3A = vector.broadcast %reduce_sum3A_717 : f32 to vector<1x1xf32>
    %add3A_718 = arith.addf %get3A_713, %reshape3A : vector<1x1xf32>
    %swap3A_719 = arith.constant 0 : index
    %swap3A_720 = arith.constant 0 : index
    %swap3A_721 = vector.load %arg4[%swap3A_719, %swap3A_720] : memref<1x1xf32, #tpu.memory_space<vmem>>, vector<1x1xf32>
    tpu.vector_store %arg4[%swap3A_719, %swap3A_720], %add3A_718 {strides = array<i32>} : memref<1x1xf32, #tpu.memory_space<vmem>>, vector<1x1xf32>,
    return
  }
  func.func @transform_0(%arg0: i32) -> (i32, i32) {
    %c0_i32 = arith.constant 0 : i32
    %c0_i32_0 = arith.constant 0 : i32
    return %arg0, %c0_i32 : i32, i32
  }
  func.func @transform_1(%arg0: i32) -> (i32, i32) {
    %c0_i32 = arith.constant 0 : i32
    %c0_i32_0 = arith.constant 0 : i32
    %c0_i32_1 = arith.constant 0 : i32
    return %c0_i32, %c0_i32_0 : i32, i32
  }
  func.func @transform_2(%arg0: i32) -> (i32, i32, i32) {
    %c0_i32 = arith.constant 0 : i32
    %c0_i32_0 = arith.constant 0 : i32
    %c0_i32_1 = arith.constant 0 : i32
    return %arg0, %c0_i32, %c0_i32_0 : i32, i32, i32
  }
  func.func @transform_3(%arg0: i32) -> (i32, i32) {
    %c0_i32 = arith.constant 0 : i32
    %c0_i32_0 = arith.constant 0 : i32
    %c0_i32_1 = arith.constant 0 : i32
    return %c0_i32, %c0_i32_0 : i32, i32
  }
}

</mosaic_0001>

<sc_bundles>
// kernel: kernel.7.cloned.1.call-start
scs
__scs_entry_jumppad:
0x0: {  	(pc) =	sbr.rel $0x88, $3  }
0x1: {  	(tag) =	ssettag $0x0;
	lr =	simm.s32 $0x1  }
0x2: {  	[smem:$0x3F9F] =	sst lr;
	_ =	strace $0xD0000000  }
0x3: {  	_ = 	snop  }
0x4: {  	_ = 	snop  }
0x5: {  	_ = 	snop  }
0x6: {  	_ = 	snop  }
0x7: {  	_ = 	snop  }
__scs_overlays_trampoline_lowered:
0x8: {  	[smem:$0x3FAE] =	sst s0  }
0x9: {  	[smem:$0x3FAF] =	sst s1  }
0xa: {  	[smem:$0x3FB0] =	sst s2  }
0xb: {  	[smem:$0x3FB1] =	sst s3  }
0xc: {  	[smem:$0x3FB2] =	sst s4  }
0xd: {  	[smem:$0x3FB3] =	sst s5  }
0xe: {  	[smem:$0x3FB4] =	sst s6  }
0xf: {  	[smem:$0x3FB5] =	sst s7  }
0x10: {  	[smem:$0x3FB6] =	sst s8  }
0x11: {  	[smem:$0x3FB7] =	sst s9;
	s0 =	simm.s32 @!p0 $0x0  }
0x12: {  	s1 =	sld [smem:$0x3F9D];
	s0 =	simm.s32 @p0 $0x1  }
0x13: {  	[smem:$0x3FB8] =	sst s0;
	s0 =	simm.s32 @!p1 $0x0  }
0x14: {  	s2 =	sld [smem:$0x3F9C];
	s0 =	simm.s32 @p1 $0x1  }
0x15: {  	[smem:$0x3FB9] =	sst s0;
	s0 =	simm.s32 @!p2 $0x0  }
0x16: {  	s3 =	sld [smem:$0x3FDB];
	s0 =	simm.s32 @p2 $0x1  }
0x17: {  	s4 =	simm.s32 $0x1BF5;
	[smem:$0x3FBB] =	sst s0  }
0x18: {  	s0 =	sld [smem:$0x3F9E];
	_ =	swait.ge [sflag:s4], $0x0  }
0x19: {  	s7 =	sld [smem:$0x3F9F]  }
0x1a: {  	s8 =	sadd.s32 $0xFFFFE003, lr  }
0x1b: {  	s9 =	sadd.s32 $0xFFFFFEF7, lr;
	s5 =	simm.s32 $0xFFFFFFFF;
	p2 =	slt.u32 s8, $0xFFFFF086  }
0x1c: {  	p1 =	slt.u32 s9, $0xF7A;
	s5 =	simm.s32 @!p2 $0x0  }
0x1d: {  	s5 =	simm.s32 @p1 $0x1;
	p0 =	seq.s32 s7, s2  }
0x1e: {  	s7 =	smul.u32 @!p0 $0xF7A, s2;
	p2 =	seq.s32 @!p0 s5, $0x0  }
0x1f: {  	s9 =	smul.u32 $0xF7A, s1;
	s8 =	simm.s32 @!p0 $0x1BF5;
	p2 =	por !p2, p0  }
0x20: {  	[sflag:s8] =	ssyncset.s32 @!p0 $0xFFFFF086;
	s6 =	sadd.s32 @!p0 s3, s7;
	s7 =	simm.s32 @!p0 $0x108  }
0x21: {  	s3 =	sadd.s32 s3, s9;
	s6 =	sadd.s32 @!p0 $0x88, s6;
	s7 =	simm.s32 @p2 $0x1082  }
0x22: {  	[simem:s7], [sflag:s8] =	dma.local @!p0 [hbm:s6], $0xF7A  }
0x23: {  	s9 =	sor.u32 $0xD0000000, s2;
	s6 =	simm.s32 $0x108;
	_ =	swait.ge @!p0 [sflag:s8], $0x0  }
0x24: {  	s3 =	sadd.s32 $0x88, s3;
	s6 =	simm.s32 @!p1 $0x1082;
	[sflag:s4] =	ssyncset.s32 $0xFFFFF086  }
0x25: {  	[simem:s6], [sflag:s4] =	dma.local [hbm:s3], $0xF7A  }
0x26: {  	[smem:$0x3F9F] =	sst s1;
	(tag) =	ssettag s2;
	_ =	strace s9  }
0x27: {  	s1 =	sld [smem:$0x3FAF]  }
0x28: {  	s2 =	sld [smem:$0x3FB0]  }
0x29: {  	s4 =	sld [smem:$0x3FB2]  }
0x2a: {  	p0 =	seq.s32 s5, $0x0;
	s5 =	sld [smem:$0x3FB3]  }
0x2b: {  	s6 =	sld [smem:$0x3FB4]  }
0x2c: {  	s7 =	sld [smem:$0x3FB5]  }
0x2d: {  	s3 =	simm.s32 $0x108;
	s8 =	sld [smem:$0x3FB6]  }
0x2e: {  	s3 =	simm.s32 @!p0 $0x1082;
	s9 =	sld [smem:$0x3FB7]  }
0x2f: {  	lr =	sadd.s32 s0, s3;
	s0 =	sld [smem:$0x3FAE]  }
0x30: {  	s3 =	sld [smem:$0x3FB1]  }
0x31: {  	[smem:$0x3FBA] =	sst s10  }
0x32: {  	s10 =	sld [smem:$0x3FB8];
	_ =	sdelay $0x3  }
0x33: {  	p0 =	seq.s32 s10, $0x1;
	s10 =	sld [smem:$0x3FBA];
	_ =	sdelay $0x3  }
0x34: {  	[smem:$0x3FBA] =	sst s10  }
0x35: {  	s10 =	sld [smem:$0x3FB9];
	_ =	sdelay $0x3  }
0x36: {  	p1 =	seq.s32 s10, $0x1;
	s10 =	sld [smem:$0x3FBA];
	_ =	sdelay $0x3  }
0x37: {  	[smem:$0x3FBA] =	sst s10  }
0x38: {  	s10 =	sld [smem:$0x3FBB]  }
0x39: {  	_ = 	snop;
	(pc) =	sbr.ind lr, $3  }
0x3a: {  	_ = 	snop  }
0x3b: {  	_ = 	snop  }
0x3c: {  	p2 =	seq.s32 s10, $0x1;
	s10 =	sld [smem:$0x3FBA]  }
0x3d: {  	_ =	shalt  }
0x3e: {  	_ =	shalt  }
0x3f: {  	_ =	shalt  }
0x40: {  	_ =	shalt  }
0x41: {  	_ =	shalt  }
0x42: {  	_ =	shalt  }
0x43: {  	_ =	shalt  }
0x44: {  	_ =	shalt  }
0x45: {  	_ =	shalt  }
0x46: {  	_ =	shalt  }
0x47: {  	_ =	shalt  }
0x48: {  	_ =	shalt  }
0x49: {  	_ =	shalt  }
0x4a: {  	_ =	shalt  }
0x4b: {  	_ =	shalt  }
0x4c: {  	_ =	shalt  }
0x4d: {  	_ =	shalt  }
0x4e: {  	_ =	shalt  }
0x4f: {  	_ =	shalt  }
0x50: {  	_ =	shalt  }
0x51: {  	_ =	shalt  }
0x52: {  	_ =	shalt  }
0x53: {  	_ =	shalt  }
0x54: {  	_ =	shalt  }
0x55: {  	_ =	shalt  }
0x56: {  	_ =	shalt  }
0x57: {  	_ =	shalt  }
0x58: {  	_ =	shalt  }
0x59: {  	_ =	shalt  }
0x5a: {  	_ =	shalt  }
0x5b: {  	_ =	shalt  }
0x5c: {  	_ =	shalt  }
0x5d: {  	_ =	shalt  }
0x5e: {  	_ =	shalt  }
0x5f: {  	_ =	shalt  }
0x60: {  	_ =	shalt  }
0x61: {  	_ =	shalt  }
0x62: {  	_ =	shalt  }
0x63: {  	_ =	shalt  }
0x64: {  	_ =	shalt  }
0x65: {  	_ =	shalt  }
0x66: {  	_ =	shalt  }
0x67: {  	_ =	shalt  }
0x68: {  	_ =	shalt  }
0x69: {  	_ =	shalt  }
0x6a: {  	_ =	shalt  }
0x6b: {  	_ =	shalt  }
0x6c: {  	_ =	shalt  }
0x6d: {  	_ =	shalt  }
0x6e: {  	_ =	shalt  }
0x6f: {  	_ =	shalt  }
0x70: {  	_ =	shalt  }
0x71: {  	_ =	shalt  }
0x72: {  	_ =	shalt  }
0x73: {  	_ =	shalt  }
0x74: {  	_ =	shalt  }
0x75: {  	_ =	shalt  }
0x76: {  	_ =	shalt  }
0x77: {  	_ =	shalt  }
0x78: {  	_ =	shalt  }
0x79: {  	_ =	shalt  }
0x7a: {  	_ =	shalt  }
0x7b: {  	_ =	shalt  }
0x7c: {  	_ =	shalt  }
0x7d: {  	_ =	shalt  }
0x7e: {  	_ =	shalt  }
0x7f: {  	_ =	shalt  }
0x80: {  	_ =	shalt  }
0x81: {  	_ =	shalt  }
0x82: {  	_ =	shalt  }
0x83: {  	_ =	shalt  }
0x84: {  	_ =	shalt  }
0x85: {  	_ =	shalt  }
0x86: {  	_ =	shalt  }
0x87: {  	_ =	shalt  }
.Lfunc_end0:
.L_simem_size_0:
called_computation_lowered:
.L_overlay_start_0:
0x88: {  	s2 =	sld [smem:$0x3FD9]  }
0x89: {  	s3 =	sld [smem:$0x3FFE];
	_ =	sdelay $0x1  }
0x8a: {  	s1 =	srdreg.scid  }
0x8b: {  	s0 =	sand.u32 $0x1, s1  }
0x8c: {  	s16 =	sshll.u32 s0, $0xA;
	s2 =	sadd.s32 s3, s2  }
0x8d: {  	s2 =	sadd.s32 s2, s16  }
0x8e: {  	[smem:$0x3FC6] =	sst s2  }
0x8f: {  	_ = 	snop  }
0x90: {  	(tm) =	ssettm $0x1  }
0x91: {  	s17 =	sld [smem:$0x3FFB];
	_ =	sdelay $0x3  }
0x92: {  	_ =	strace s17  }
0x93: {  	s2 =	sld [smem:$0x3FFC];
	_ =	sdelay $0x3  }
0x94: {  	_ =	strace s2  }
0x95: {  	s2 =	sld [smem:$0x3FFD];
	_ =	sdelay $0x3  }
0x96: {  	_ =	strace s2  }
0x97: {  	_ =	strace $0x8FFFFFFF  }
0x98: {  	s18 =	sld [smem:$0x3FDB];
	_ =	sdelay $0x1  }
0x99: {  	s19 =	simm.s32 $_scs_section_size  }
0x9a: {  	s4 =	simm.s32 $_size__tile_overlayer_lowered;
	s5 =	simm.s32 $_tile_overlayer_lowered  }
0x9b: {  	s22 =	simm.s32 $0x1BFF;
	s21 =	sshll.u32 s5, $0x1;
	s2 =	sadd.s32 s19, s18  }
0x9c: {  	s6 =	simm.s32 $0x0;
	s20 =	sshll.u32 s4, $0x1;
	s4 =	sadd.s32 s21, s2  }
0x9d: {  	[timem:s6], [sflag:s22] =	dma.local [hbm:s4], s20  }
0x9e: {  	_ =	swait.ge [sflag:s22], s20  }
0x9f: {  	s3 =	ssub.s32 $0x0, s20;
	[sflag:s22] =	ssyncset.done $0x0  }
0xa0: {  	[sflag:s22] =	ssyncadd.s32 s3;
	_ =	sdelay $0x1  }
0xa1: {  	s23 =	simm.s32 $0x1B8B  }
0xa2: {  	_ =	swait.ge [sflag:s23], $0x1  }
0xa3: {  	[sflag:s23] =	ssyncset.done $0x0  }
0xa4: {  	s25 =	simm.s32 $0x1B8E;
	s24 =	sld [smem:$0x3FFE];
	[sflag:s23] =	ssyncadd.s32 $0xFFFFFFFF  }
0xa5: {  	s26 =	simm.s32 $execute0_lowered;
	[smem:$0x3FD2] =	sst s25  }
0xa6: {  	s4 =	sshll.u32 s26, $0x1;
	_ =	strace $0x80000046;
	[dreg:$0x1] =	wrdreg $0xFFFFFFFF  }
0xa7: {  	s28 =	simm.s32 $_size_execute0_lowered;
	s2 =	sadd.s32 s2, s4;
	[dreg:$0x0] =	wrdreg $0x0  }
0xa8: {  	s4 =	sshll.u32 s28, $0x1;
	[dreg:$0x2] =	wrdreg s2  }
0xa9: {  	[dreg:$0x3] =	wrdreg s4  }
0xaa: {  	[dreg:$0x4] =	wrdreg $0xC0  }
0xab: {  	_ =	task [dreg:s6], $0x5FFFF  }
0xac: {  	[dreg:$0x1] =	wrdreg $0xFFFFFFFF  }
0xad: {  	[dreg:$0x0] =	wrdreg $0x60  }
0xae: {  	[dreg:$0x2] =	wrdreg s24  }
0xaf: {  	[dreg:$0x3] =	wrdreg $0x6800  }
0xb0: {  	[dreg:$0x4] =	wrdreg $0x9  }
0xb1: {  	_ =	task.clear_ibuf [dreg:s6], $0x5FFFF;
	_ =	strace $0x90000046  }
0xb2: {  	s29 =	simm.s32 $0x9;
	_ =	strace $0x80000048  }
0xb3: {  	_ =	swait.ge [sflag:s29], $0x1  }
0xb4: {  	[sflag:s29] =	ssyncadd.s32 $0xFFFFFFFF  }
0xb5: {  	_ =	strace $0x90000048  }
0xb6: {  	_ =	sfence  }
0xb7: {  	s30 =	sld [smem:$0x0];
	_ =	sdelay $0x2  }
0xb8: {  	s31 =	sshll.u32 s1, $0xD;
	s1 =	sshrl.u32 s1, $0x2  }
0xb9: {  	s3 =	sand.u32 $0x4000, s31;
	s1 =	sadd.s32 s1, s30  }
0xba: {  	s0 =	sor.u32 s3, s0;
	s1 =	sshll.u32 s1, $0x11  }
0xbb: {  	s0 =	sor.u32 s1, s0  }
0xbc: {  	s0 =	sadd.s32 $0x8F2B, s0  }
0xbd: {  	[sflag:s0] =	ssyncadd.remote.s32 $0x1  }
0xbe: {  	_ =	sfence.sel $0xFFFF  }
0xbf: {  	[dreg:$0x0] =	wrdreg $0xFFFFFFFF;
	(pc) =	sbr.abs _section_cstart, $3  }
0xc0: {  	[dreg:$0x1] =	wrdreg $0xFFFFFFFF  }
0xc1: {  	_ =	task.clear_ibuf [dreg:s6], $0x2FFFF;
	_ =	strace $0x9FFFFFFF  }
0xc2: {  	(tm) =	ssettm $0x7FFFFFFF  }
0xc3: {  	_ =	shalt  }
tec
execute0_lowered:
.L_overlay_start_1:
0x0: {  	(tag) =	ssettag $0x1  }
0x1: {  	s16 =	rddreg [dreg:$0x0]  }
0x2: {  	s1 =	rddreg [dreg:$0x1];
	s2 =	simm.s32 $0x0  }
0x3: {  	v0 =	vimm.f32 $0.0e+00;
	[smem:$0x7FF] =	sst s2  }
0x4: {  	s0 =	rddreg [dreg:$0x2];
	_ =	strace $0x80000047;
	[tilespmem:$0x510] =	vst v0  }
0x5: {  	[tilespmem:$0x520] =	vst v0  }
0x6: {  	[tilespmem:$0x530] =	vst v0  }
0x7: {  	[tilespmem:$0x540] =	vst v0  }
0x8: {  	[tilespmem:$0x550] =	vst v0  }
0x9: {  	[tilespmem:$0x560] =	vst v0  }
0xa: {  	[tilespmem:$0x570] =	vst v0  }
0xb: {  	[tilespmem:$0x580] =	vst v0  }
0xc: {  	[tilespmem:$0x480] =	vst v0  }
0xd: {  	[tilespmem:$0x670] =	vst v0  }
0xe: {  	[tilespmem:$0x660] =	vst v0  }
0xf: {  	[tilespmem:$0x650] =	vst v0  }
0x10: {  	[tilespmem:$0x640] =	vst v0  }
0x11: {  	[tilespmem:$0x630] =	vst v0  }
0x12: {  	[tilespmem:$0x620] =	vst v0  }
0x13: {  	[tilespmem:$0x610] =	vst v0  }
0x14: {  	[tilespmem:$0x600] =	vst v0  }
0x15: {  	[tilespmem:$0x5F0] =	vst v0  }
0x16: {  	[tilespmem:$0x5E0] =	vst v0  }
0x17: {  	[tilespmem:$0x5D0] =	vst v0  }
0x18: {  	[tilespmem:$0x5C0] =	vst v0  }
0x19: {  	[tilespmem:$0x5B0] =	vst v0  }
0x1a: {  	[tilespmem:$0x5A0] =	vst v0  }
0x1b: {  	[tilespmem:$0x590] =	vst v0  }
0x1c: {  	[tilespmem:$0x500] =	vst v0  }
0x1d: {  	[tilespmem:$0x4F0] =	vst v0  }
0x1e: {  	[tilespmem:$0x4E0] =	vst v0  }
0x1f: {  	[tilespmem:$0x4D0] =	vst v0  }
0x20: {  	[tilespmem:$0x4C0] =	vst v0  }
0x21: {  	s3 =	stileid.u32;
	[tilespmem:$0x4B0] =	vst v0  }
0x22: {  	s4 =	sshll.u32 s3, $0x9;
	[tilespmem:$0x4A0] =	vst v0  }
0x23: {  	s6 =	simm.s32 $0x480;
	s5 =	sadd.s32 s4, s1;
	s4 =	simm.s32 $0x2;
	[tilespmem:$0x490] =	vst v0  }
0x24: {  	[spmem:s5] =	stream.linear.scatter [tilespmem:s6], [sflag:$0x2], $0x200, $0x38;
	[tilespmem:$0x880] =	vst v63  }
0x25: {  	_ =	swait.ge [sflag:s4], $0x200  }
0x26: {  	[sflag:s4] =	ssyncset.done $0x0  }
0x27: {  	v1 =	vimm.f32 $1.000000000e+00;
	[sflag:s4] =	ssyncadd.s32 $0xFFFFFE00  }
0x28: {  	[tilespmem:$0x470] =	vst v1  }
0x29: {  	s7 =	srdreg.scid;
	[tilespmem:$0x460] =	vst v1  }
0x2a: {  	s15 =	sand.u32 $0x1, s7;
	[tilespmem:$0x450] =	vst v1  }
0x2b: {  	s17 =	sshll.u32 s3, $0xA;
	s7 =	sshll.u32 s15, $0xE;
	[tilespmem:$0x440] =	vst v1  }
0x2c: {  	s7 =	sor.u32 s17, s7;
	[tilespmem:$0x430] =	vst v1  }
0x2d: {  	s7 =	sshrl.u32 s7, $0x3;
	[tilespmem:$0x420] =	vst v1  }
0x2e: {  	s7 =	sadd.s32 s7, s16;
	[tilespmem:$0x410] =	vst v1  }
0x2f: {  	s8 =	sadd.s32 $0x1000, s7;
	s7 =	simm.s32 $0x1;
	[tilespmem:$0x400] =	vst v1  }
0x30: {  	[tilespmem:s2], [sflag:$0x1] =	stream.linear.gather [hbm4b:s8+s2], $0x400, $0x38;
	[tilespmem:$0x880] =	vst v63  }
0x31: {  	_ =	swait.ge [sflag:s7], $0x400  }
0x32: {  	[sflag:s7] =	ssyncset.done $0x0  }
0x33: {  	[sflag:s7] =	ssyncadd.s32 $0xFFFFFC00  }
0x34: {  	s9 =	simm.s32 $0x80;
	s10 =	simm.s32 $0x400;
	[bflag:$0x0] =	sbarrier.arrive $0xFFFF  }
0x35: {  	[spmem:s1] =	stream.indirect.scatter.add.f32 [tilespmem:s10], [sflag:$0x2], $0x1, s2, s9, $0xb8;
	[tilespmem:$0x880] =	vst v63  }
0x36: {  	_ =	swait.ge [sflag:s4], $0x80  }
0x37: {  	[sflag:s4] =	ssyncset.done $0x0  }
0x38: {  	[sflag:s4] =	ssyncadd.s32 $0xFFFFFF80  }
0x39: {  	[spmem:s1] =	stream.indirect.scatter.add.f32 [tilespmem:s10], [sflag:$0x2], $0x1, s9, s9, $0xb8;
	[tilespmem:$0x880] =	vst v63  }
0x3a: {  	_ =	swait.ge [sflag:s4], $0x80  }
0x3b: {  	[sflag:s4] =	ssyncset.done $0x0  }
0x3c: {  	s11 =	simm.s32 $0x100;
	[sflag:s4] =	ssyncadd.s32 $0xFFFFFF80  }
0x3d: {  	[spmem:s1] =	stream.indirect.scatter.add.f32 [tilespmem:s10], [sflag:$0x2], $0x1, s11, s9, $0xb8;
	[tilespmem:$0x880] =	vst v63  }
0x3e: {  	_ =	swait.ge [sflag:s4], $0x80  }
0x3f: {  	[sflag:s4] =	ssyncset.done $0x0  }
0x40: {  	s12 =	simm.s32 $0x180;
	[sflag:s4] =	ssyncadd.s32 $0xFFFFFF80  }
0x41: {  	[spmem:s1] =	stream.indirect.scatter.add.f32 [tilespmem:s10], [sflag:$0x2], $0x1, s12, s9, $0xb8;
	[tilespmem:$0x880] =	vst v63  }
0x42: {  	_ =	swait.ge [sflag:s4], $0x80  }
0x43: {  	[sflag:s4] =	ssyncset.done $0x0  }
0x44: {  	s13 =	simm.s32 $0x200;
	[sflag:s4] =	ssyncadd.s32 $0xFFFFFF80  }
0x45: {  	[spmem:s1] =	stream.indirect.scatter.add.f32 [tilespmem:s10], [sflag:$0x2], $0x1, s13, s9, $0xb8;
	[tilespmem:$0x880] =	vst v63  }
0x46: {  	s14 =	simm.s32 $0x280;
	_ =	swait.ge [sflag:s4], $0x80  }
0x47: {  	s20 =	simm.s32 $0x20;
	s29 =	ssub.s32 $0x2, s15;
	[sflag:s4] =	ssyncset.done $0x0  }
0x48: {  	s21 =	simm.s32 $0x10;
	s19 =	sshrl.u32 s29, $0x1;
	[sflag:s4] =	ssyncadd.s32 $0xFFFFFF80  }
0x49: {  	[spmem:s1] =	stream.indirect.scatter.add.f32 [tilespmem:s10], [sflag:$0x2], $0x1, s14, s9, $0xb8;
	[tilespmem:$0x880] =	vst v63  }
0x4a: {  	s31 =	sshll.u32 s3, $0x6;
	s30 =	ssub.s32 s29, s19;
	_ =	swait.ge [sflag:s4], $0x80  }
0x4b: {  	s18 =	sshll.u32 s15, $0x7;
	s22 =	smax.u32 s30, $0x1;
	[sflag:s4] =	ssyncset.done $0x0  }
0x4c: {  	s15 =	simm.s32 $0x300;
	p0 =	sne.s32 s22, $0x1;
	[sflag:s4] =	ssyncadd.s32 $0xFFFFFF80  }
0x4d: {  	[spmem:s1] =	stream.indirect.scatter.add.f32 [tilespmem:s10], [sflag:$0x2], $0x1, s15, s9, $0xb8;
	[tilespmem:$0x880] =	vst v63  }
.Ltmp0:
0x4e: {  	s17 =	sor.u32 s18, s17;
	s18 =	sshrl.u32 s5, $0x3;
	(pc) =	sbr.rel @!p0 .LBB2_2-.Ltmp0, $4  }
0x4f: {  	s17 =	sshrl.u32 s17, $0x3;
	s19 =	simm.s32 $0x380;
	_ =	swait.ge [sflag:s4], $0x80  }
0x50: {  	s16 =	sadd.s32 s17, s16;
	s17 =	sor.u32 $0x1C02, s31;
	[sflag:s4] =	ssyncset.done $0x0  }
0x51: {  	s16 =	sadd.s32 $0x2000, s16;
	s22 =	sadd.s32 $0xFFFFFFFF, s22;
	[sflag:s4] =	ssyncadd.s32 $0xFFFFFF80  }
0x52: {  	[spmem:s1] =	stream.indirect.scatter.add.f32 [tilespmem:s10], [sflag:$0x2], $0x1, s19, s9, $0xb8;
	[tilespmem:$0x880] =	vst v63  }
.LBB2_1:
0x53: {  	p0 =	sne.s32 s22, $0x1;
	s22 =	sadd.s32 $0xFFFFFFFF, s22;
	_ =	swait.ge [sflag:s4], $0x80  }
0x54: {  	[sflag:s4] =	ssyncset.done $0x0  }
0x55: {  	[sflag:s4] =	ssyncadd.s32 $0xFFFFFF80  }
0x56: {  	[bflag:$0x0] =	sbarrier.arrive $0xFFFF  }
0x57: {  	[hbm:s16@s20], [sflag:s17] =	dma.strided [spmem:s18@s21], $0x40, s7, $0x10   }
0x58: {  	_ =	swait.ge [sflag:s4], $0x40  }
0x59: {  	[sflag:s4] =	ssyncset.done $0x0  }
0x5a: {  	[sflag:s4] =	ssyncadd.s32 $0xFFFFFFC0  }
0x5b: {  	[tilespmem:$0x510] =	vst v0  }
0x5c: {  	[tilespmem:$0x520] =	vst v0  }
0x5d: {  	[tilespmem:$0x530] =	vst v0  }
0x5e: {  	[tilespmem:$0x540] =	vst v0  }
0x5f: {  	[tilespmem:$0x550] =	vst v0  }
0x60: {  	[tilespmem:$0x560] =	vst v0  }
0x61: {  	[tilespmem:$0x570] =	vst v0  }
0x62: {  	[tilespmem:$0x580] =	vst v0  }
0x63: {  	[tilespmem:$0x480] =	vst v0  }
0x64: {  	[tilespmem:$0x670] =	vst v0  }
0x65: {  	[tilespmem:$0x660] =	vst v0  }
0x66: {  	[tilespmem:$0x650] =	vst v0  }
0x67: {  	[tilespmem:$0x640] =	vst v0  }
0x68: {  	[tilespmem:$0x630] =	vst v0  }
0x69: {  	[tilespmem:$0x620] =	vst v0  }
0x6a: {  	[tilespmem:$0x610] =	vst v0  }
0x6b: {  	[tilespmem:$0x600] =	vst v0  }
0x6c: {  	[tilespmem:$0x5F0] =	vst v0  }
0x6d: {  	[tilespmem:$0x5E0] =	vst v0  }
0x6e: {  	[tilespmem:$0x5D0] =	vst v0  }
0x6f: {  	[tilespmem:$0x5C0] =	vst v0  }
0x70: {  	[tilespmem:$0x5B0] =	vst v0  }
0x71: {  	[tilespmem:$0x5A0] =	vst v0  }
0x72: {  	[tilespmem:$0x590] =	vst v0  }
0x73: {  	[tilespmem:$0x500] =	vst v0  }
0x74: {  	[tilespmem:$0x4F0] =	vst v0  }
0x75: {  	[tilespmem:$0x4E0] =	vst v0  }
0x76: {  	[tilespmem:$0x4D0] =	vst v0  }
0x77: {  	[tilespmem:$0x4C0] =	vst v0  }
0x78: {  	[tilespmem:$0x4B0] =	vst v0  }
0x79: {  	[tilespmem:$0x4A0] =	vst v0  }
0x7a: {  	[tilespmem:$0x490] =	vst v0  }
0x7b: {  	[spmem:s5] =	stream.linear.scatter [tilespmem:s6], [sflag:$0x2], $0x200, $0x38;
	[tilespmem:$0x880] =	vst v63  }
0x7c: {  	_ =	swait.ge [sflag:s4], $0x200  }
0x7d: {  	[sflag:s4] =	ssyncset.done $0x0  }
0x7e: {  	[sflag:s4] =	ssyncadd.s32 $0xFFFFFE00  }
0x7f: {  	[tilespmem:$0x470] =	vst v1  }
0x80: {  	[tilespmem:$0x460] =	vst v1  }
0x81: {  	[tilespmem:$0x450] =	vst v1  }
0x82: {  	[tilespmem:$0x440] =	vst v1  }
0x83: {  	[tilespmem:$0x430] =	vst v1  }
0x84: {  	[tilespmem:$0x420] =	vst v1  }
0x85: {  	[tilespmem:$0x410] =	vst v1  }
0x86: {  	[tilespmem:$0x400] =	vst v1  }
0x87: {  	[tilespmem:s2], [sflag:$0x1] =	stream.linear.gather [hbm4b:s8+s2], $0x400, $0x38;
	[tilespmem:$0x880] =	vst v63  }
0x88: {  	_ =	swait.ge [sflag:s7], $0x400  }
0x89: {  	[sflag:s7] =	ssyncset.done $0x0  }
0x8a: {  	[sflag:s7] =	ssyncadd.s32 $0xFFFFFC00  }
0x8b: {  	[bflag:$0x0] =	sbarrier.arrive $0xFFFF  }
0x8c: {  	[spmem:s1] =	stream.indirect.scatter.add.f32 [tilespmem:s10], [sflag:$0x2], $0x1, s2, s9, $0xb8;
	[tilespmem:$0x880] =	vst v63  }
0x8d: {  	_ =	swait.ge [sflag:s4], $0x80  }
0x8e: {  	[sflag:s4] =	ssyncset.done $0x0  }
0x8f: {  	[sflag:s4] =	ssyncadd.s32 $0xFFFFFF80  }
0x90: {  	[spmem:s1] =	stream.indirect.scatter.add.f32 [tilespmem:s10], [sflag:$0x2], $0x1, s9, s9, $0xb8;
	[tilespmem:$0x880] =	vst v63  }
0x91: {  	_ =	swait.ge [sflag:s4], $0x80  }
0x92: {  	[sflag:s4] =	ssyncset.done $0x0  }
0x93: {  	[sflag:s4] =	ssyncadd.s32 $0xFFFFFF80  }
0x94: {  	[spmem:s1] =	stream.indirect.scatter.add.f32 [tilespmem:s10], [sflag:$0x2], $0x1, s11, s9, $0xb8;
	[tilespmem:$0x880] =	vst v63  }
0x95: {  	_ =	swait.ge [sflag:s4], $0x80  }
0x96: {  	[sflag:s4] =	ssyncset.done $0x0  }
0x97: {  	[sflag:s4] =	ssyncadd.s32 $0xFFFFFF80  }
0x98: {  	[spmem:s1] =	stream.indirect.scatter.add.f32 [tilespmem:s10], [sflag:$0x2], $0x1, s12, s9, $0xb8;
	[tilespmem:$0x880] =	vst v63  }
0x99: {  	_ =	swait.ge [sflag:s4], $0x80  }
0x9a: {  	[sflag:s4] =	ssyncset.done $0x0  }
0x9b: {  	[sflag:s4] =	ssyncadd.s32 $0xFFFFFF80  }
0x9c: {  	[spmem:s1] =	stream.indirect.scatter.add.f32 [tilespmem:s10], [sflag:$0x2], $0x1, s13, s9, $0xb8;
	[tilespmem:$0x880] =	vst v63  }
0x9d: {  	_ =	swait.ge [sflag:s4], $0x80  }
0x9e: {  	[sflag:s4] =	ssyncset.done $0x0  }
0x9f: {  	[sflag:s4] =	ssyncadd.s32 $0xFFFFFF80  }
0xa0: {  	[spmem:s1] =	stream.indirect.scatter.add.f32 [tilespmem:s10], [sflag:$0x2], $0x1, s14, s9, $0xb8;
	[tilespmem:$0x880] =	vst v63  }
0xa1: {  	_ =	swait.ge [sflag:s4], $0x80  }
0xa2: {  	[sflag:s4] =	ssyncset.done $0x0  }
0xa3: {  	[sflag:s4] =	ssyncadd.s32 $0xFFFFFF80  }
0xa4: {  	[spmem:s1] =	stream.indirect.scatter.add.f32 [tilespmem:s10], [sflag:$0x2], $0x1, s15, s9, $0xb8;
	[tilespmem:$0x880] =	vst v63  }
.Ltmp1:
0xa5: {  	_ = 	snop;
	(pc) =	sbr.rel @p0 .LBB2_1-.Ltmp1, $4  }
0xa6: {  	_ =	swait.ge [sflag:s4], $0x80  }
0xa7: {  	[sflag:s4] =	ssyncset.done $0x0  }
0xa8: {  	[sflag:s4] =	ssyncadd.s32 $0xFFFFFF80  }
0xa9: {  	[spmem:s1] =	stream.indirect.scatter.add.f32 [tilespmem:s10], [sflag:$0x2], $0x1, s19, s9, $0xb8;
	[tilespmem:$0x880] =	vst v63  }
.LBB2_2:
0xaa: {  	_ =	swait.ge [sflag:s4], $0x80  }
0xab: {  	[sflag:s4] =	ssyncset.done $0x0  }
0xac: {  	[sflag:s4] =	ssyncadd.s32 $0xFFFFFF80  }
0xad: {  	[bflag:$0x0] =	sbarrier.arrive $0xFFFF  }
0xae: {  	[hbm:s16@s20], [sflag:s17] =	dma.strided [spmem:s18@s21], $0x40, s7, $0x10   }
0xaf: {  	_ =	swait.ge [sflag:s4], $0x40  }
0xb0: {  	[sflag:s4] =	ssyncset.done $0x0  }
0xb1: {  	[sflag:s4] =	ssyncadd.s32 $0xFFFFFFC0  }
0xb2: {  	_ =	sfence.sel $0x180000  }
0xb3: {  	[bflag:$0x0] =	sbarrier.arrive $0xFFFF  }
0xb4: {  	p0 =	sne.s32 s3, $0x0;
	_ =	strace $0x90000047  }
0xb5: {  	s0 =	sadd.s32 @!p0 $0x100000, s0;
	[bflag:$0x2] =	sbarrier.arrive $0xFFFF  }
0xb6: {  	[sflag:s0] =	ssyncadd.tile.s32 @!p0 $0x1;
	_ =	shalt  }
.Lfunc_end2:
_tile_overlayer_lowered:
.L_overlay_start_2:
0xb7: {  	(tag) =	ssettag $0x2  }
0xb8: {  	s0 =	rddreg [dreg:$0x0];
	s2 =	stileid.u32  }
0xb9: {  	s1 =	rddreg [dreg:$0x1];
	p0 =	sne.s32 s2, $0x0  }
0xba: {  	s3 =	rddreg [dreg:$0x2];
	[bflag:$0x3] =	sbarrier.arrive $0xFFFF;
	s2 =	simm.s32 @!p0 $0x1C02  }
0xbb: {  	[timem:s3], [sflag:s2] =	dma.local @!p0 [hbm:s0], s1  }
0xbc: {  	s0 =	simm.s32 @!p0 $0x2  }
0xbd: {  	_ =	swait.ge @!p0 [sflag:s0], s1  }
0xbe: {  	s1 =	ssub.s32 @!p0 $0x0, s1;
	[sflag:s0] =	ssyncset.done @!p0 $0x0  }
0xbf: {  	[sflag:s0] =	ssyncadd.s32 @!p0 s1  }
0xc0: {  	[bflag:$0x3] =	sbarrier.arrive $0xFFFF  }
0xc1: {  	_ =	shalt  }

</sc_bundles>
